<compile_context>
chip_gen: v7x
topology: tpu7x:2x2x1
jax: 0.10.2.dev20260603
libtpu: 0.0.44.dev20260713+nightly
codegen_flags: <defaults>
</compile_context>

<pallas_src>
import jax
import jax.numpy as jnp
from jax import lax
from jax.experimental import pallas as pl
from jax.experimental.pallas import tpu as pltpu
from jax.experimental.pallas import tpu_sc as plsc

B, N, C = 32, 8732, 81
NB = 8960
N_PAD = NB
NV = N_PAD // 16
NL = 4 * N
NLV = NL // 16


def _tc_kernel(cls_ref, tl_ref, ce_ref):
    x = cls_ref[0]
    t_row = tl_ref[0]
    t = lax.transpose(t_row, (1, 0))

    e = jnp.exp(x)
    cls_iota = lax.broadcasted_iota(jnp.int32, (NB, C), 1)
    m = jnp.where(cls_iota == t, x, 0.0)
    ones = jnp.ones((1, C), jnp.float32)
    dn = (((1,), (1,)), ((), ()))
    s_row = lax.dot_general(ones, e, dn,
                            preferred_element_type=jnp.float32)
    p_row = lax.dot_general(ones, m, dn,
                            preferred_element_type=jnp.float32)
    lane = lax.broadcasted_iota(jnp.int32, (1, NB), 1)
    ce_row = jnp.maximum(jnp.log(s_row) - p_row, 0.0)
    ce_ref[0] = jnp.where(lane < N, ce_row, 0.0)


def _tc_stage(cls_preds, tlane):
    return pl.pallas_call(
        _tc_kernel,
        grid=(B,),
        in_specs=[
            pl.BlockSpec((1, NB, C), lambda b: (b, 0, 0)),
            pl.BlockSpec((1, 1, NB), lambda b: (b, 0, 0)),
        ],
        out_specs=pl.BlockSpec((1, 1, NB), lambda b: (b, 0, 0)),
        out_shape=jax.ShapeDtypeStruct((B, 1, N_PAD), jnp.float32),
        compiler_params=pltpu.CompilerParams(
            dimension_semantics=("arbitrary",)),
    )(cls_preds, tlane)


def _vsum(vec):
    s = vec[0]
    for i in range(1, 16):
        s = s + vec[i]
    return s


def _sc_kernel(ce_hbm, tgt_hbm, lp_hbm, lt_hbm, out_hbm,
               ce_v, t_v, lp_v, lt_v, out_v):
    wid = lax.axis_index("s") * 2 + lax.axis_index("c")
    pltpu.sync_copy(ce_hbm.at[wid], ce_v)
    pltpu.sync_copy(tgt_hbm.at[wid], t_v)
    pltpu.sync_copy(lp_hbm.at[wid], lp_v)
    pltpu.sync_copy(lt_hbm.at[wid], lt_v)

    def red_body(i, carry):
        npos, psum, tsum = carry
        ce16 = ce_v[pl.ds(i * 16, 16)]
        t16 = t_v[pl.ds(i * 16, 16)]
        p = t16 > 0
        npos = npos + jnp.where(p, 1.0, 0.0)
        psum = psum + jnp.where(p, ce16, 0.0)
        tsum = tsum + ce16
        return npos, psum, tsum

    z_f = jnp.zeros((16,), jnp.float32)
    npos_v, psum_v, tsum_v = lax.fori_loop(0, NV, red_body, (z_f, z_f, z_f))
    npos_s = _vsum(npos_v)
    psum_s = _vsum(psum_v)
    tsum_s = _vsum(tsum_v)
    k = 3.0 * npos_s

    lane16 = lax.iota(jnp.int32, 16)

    def loc_body(i, lsum):
        t16 = t_v[pl.ds(i * 16, 16)]
        for q in range(4):
            d = (lp_v[pl.ds(i * 64 + q * 16, 16)]
                 - lt_v[pl.ds(i * 64 + q * 16, 16)])
            ad = jnp.abs(d)
            sl1 = jnp.where(ad < 1.0, 0.5 * d * d, ad - 0.5)
            p0 = jnp.where(t16[4 * q] > 0, 1.0, 0.0)
            p1 = jnp.where(t16[4 * q + 1] > 0, 1.0, 0.0)
            p2 = jnp.where(t16[4 * q + 2] > 0, 1.0, 0.0)
            p3 = jnp.where(t16[4 * q + 3] > 0, 1.0, 0.0)
            pm = jnp.where(lane16 < 4, p0,
                           jnp.where(lane16 < 8, p1,
                                     jnp.where(lane16 < 12, p2, p3)))
            lsum = lsum + sl1 * pm
        return lsum

    lsum_s = _vsum(lax.fori_loop(0, NL // 64, loc_body, z_f))

    def mining(_):
        def bit_body(b_i, prefix):
            cand = prefix | lax.shift_left(jnp.uint32(1),
                                           (30 - b_i).astype(jnp.uint32))
            cand_f = lax.bitcast_convert_type(cand, jnp.float32)

            def cnt_body(i, acc):
                ce16 = ce_v[pl.ds(i * 16, 16)]
                return acc + jnp.where(ce16 >= cand_f, 1.0, 0.0)

            cnt = _vsum(lax.fori_loop(0, NV, cnt_body, z_f))
            return jnp.where(cnt >= k, cand, prefix)

        thr = lax.fori_loop(0, 31, bit_body, jnp.uint32(0))
        thr_f = lax.bitcast_convert_type(thr, jnp.float32)

        def sum_body(i, carry):
            cgt, sgt = carry
            ce16 = ce_v[pl.ds(i * 16, 16)]
            gt = ce16 > thr_f
            cgt = cgt + jnp.where(gt, 1.0, 0.0)
            sgt = sgt + jnp.where(gt, ce16, 0.0)
            return cgt, sgt

        cgt_v, sgt_v = lax.fori_loop(0, NV, sum_body, (z_f, z_f))
        cgt = _vsum(cgt_v)
        sgt = _vsum(sgt_v)
        return sgt + (k - cgt) * thr_f

    neg = lax.cond(k >= jnp.float32(N), lambda _: tsum_s, mining, 0)
    cls_b = psum_s + neg

    vec = jnp.where(lane16 == 0, cls_b,
                    jnp.where(lane16 == 1, npos_s,
                              jnp.where(lane16 == 2, lsum_s, 0.0)))
    out_v[...] = vec
    pltpu.sync_copy(out_v, out_hbm.at[wid])


def _sc_stage(ce2, tpad, lp2, lt2):
    mesh = plsc.VectorSubcoreMesh(
        core_axis_name="c", subcore_axis_name="s", num_cores=2, num_subcores=16)
    return pl.kernel(
        _sc_kernel,
        out_type=jax.ShapeDtypeStruct((B, 16), jnp.float32),
        mesh=mesh,
        scratch_types=[
            pltpu.VMEM((N_PAD,), jnp.float32),
            pltpu.VMEM((N_PAD,), jnp.int32),
            pltpu.VMEM((NL,), jnp.float32),
            pltpu.VMEM((NL,), jnp.float32),
            pltpu.VMEM((16,), jnp.float32),
        ],
    )(ce2, tpad, lp2, lt2)


@jax.jit
def kernel(loc_preds, loc_targets, cls_preds, cls_targets):
    tpad = jnp.pad(cls_targets, ((0, 0), (0, N_PAD - N)))
    tlane = tpad.reshape(B, 1, N_PAD)
    ce3 = _tc_stage(cls_preds, tlane)
    ce2 = ce3.reshape(B, N_PAD)
    lp2 = loc_preds.reshape(B, NL)
    lt2 = loc_targets.reshape(B, NL)
    sc_out = _sc_stage(ce2, tpad, lp2, lt2)
    cls_loss = jnp.sum(sc_out[:, 0])
    nf = jnp.sum(sc_out[:, 1])
    loc_loss = jnp.sum(sc_out[:, 2])
    return (loc_loss + cls_loss) / nf

# --- scband reference (transcript-rebuilt; emitter-appended) ---
"""Pipeline reference for scband-focal-loss-75634374082831 (READ-ONLY COPY).

The authoritative reference and input builder live on the scoring server;
editing this copy changes nothing except your own understanding.
"""

import jax, jax.numpy as jnp
import numpy as np

B, N, C = 32, 8732, 81

def setup_inputs(seed: int = 0):
    key = jax.random.key(seed)
    k1, k2, k3, k4 = jax.random.split(key, 4)
    return {
        "loc_preds": jax.random.normal(k1, (B, N, 4), dtype=jnp.float32),
        "loc_targets": jax.random.normal(k2, (B, N, 4), dtype=jnp.float32),
        "cls_preds": jax.random.normal(k3, (B, N, C), dtype=jnp.float32),
        "cls_targets": jax.random.randint(k4, (B, N), 0, C, dtype=jnp.int32),
    }

def _log_sum_exp(x):
    # torch version uses x.data.max() (detached scalar global max)
    x_max = jax.lax.stop_gradient(jnp.max(x))
    return jnp.log(jnp.sum(jnp.exp(x - x_max), axis=1, keepdims=True)) + x_max

def _forward(loc_preds, loc_targets, cls_preds, cls_targets):
    batch_size, num_boxes = cls_targets.shape
    pos = cls_targets > 0
    # smooth_l1 over positive anchors, sum reduction (mask-based, same math as boolean select)
    posf = pos.astype(loc_preds.dtype)[:, :, None]
    diff = loc_preds - loc_targets
    ad = jnp.abs(diff)
    sl1 = jnp.where(ad < 1.0, 0.5 * diff * diff, ad - 0.5)
    loc_loss = jnp.sum(sl1 * posf)
    total_cls_loss = []
    for b in range(batch_size):
        pred_conf = cls_preds[b]
        conf_t = cls_targets[b]
        p_true = conf_t > 0
        conf_t = jnp.where(conf_t == -1, 0, conf_t)
        loss_c = (_log_sum_exp(pred_conf) - jnp.take_along_axis(pred_conf, conf_t.reshape(-1, 1), axis=1)).reshape(-1)
        # note: loss_c[p_true * ignore] = 0 in the torch code is a no-op (conditions are mutually exclusive)
        loss_idx = jnp.argsort(-loss_c)  # descending sort indices
        num_pos_b = jnp.sum(p_true)
        num_neg = num_pos_b * 3
        # F.cross_entropy with sum reduction, per-anchor
        lse = jax.nn.logsumexp(pred_conf, axis=1)
        picked = jnp.take_along_axis(pred_conf, conf_t.reshape(-1, 1), axis=1).reshape(-1)
        ce = lse - picked
        neg_mask = jnp.arange(num_boxes) < num_neg
        neg_sum = jnp.sum(jnp.where(neg_mask, ce[loss_idx], 0.0))
        pos_sum = jnp.sum(jnp.where(p_true, ce, 0.0))
        total_cls_loss.append(neg_sum + pos_sum)
    Nf = jnp.sum(pos).astype(loc_preds.dtype)
    loss_c_total = jnp.stack(total_cls_loss).sum()
    return loc_loss / Nf + loss_c_total / Nf

def reference(loc_preds, loc_targets, cls_preds, cls_targets):
    return _forward(loc_preds, loc_targets, cls_preds, cls_targets)

if __name__ == "__main__":
    import jax
    _d = setup_inputs()
    print(jax.jit(kernel)(*tuple(_d.values())))

</pallas_src>

<mosaic_0001>
#map = affine_map<(d0, d1) -> (0, 0)>
module attributes {stable_mosaic.version = 14 : i64} {
  func.func @_sc_kernel(%arg0: i32, %arg1: i32, %arg2: memref<32x8960xf32, #tpu.memory_space<hbm>>, %arg3: memref<32x8960xi32, #tpu.memory_space<hbm>>, %arg4: memref<32x34928xf32, #tpu.memory_space<hbm>>, %arg5: memref<32x34928xf32, #tpu.memory_space<hbm>>, %arg6: memref<32x16xf32, #tpu.memory_space<hbm>>, %arg7: memref<8960xf32, #tpu.memory_space<vmem>>, %arg8: memref<8960xi32, #tpu.memory_space<vmem>>, %arg9: memref<34928xf32, #tpu.memory_space<vmem>>, %arg10: memref<34928xf32, #tpu.memory_space<vmem>>, %arg11: memref<16xf32, #tpu.memory_space<vmem>>) attributes {dimension_semantics = [#tpu.dimension_semantics<core_parallel>, #tpu.dimension_semantics<subcore_parallel>], iteration_bounds = array<i64: 2, 16>, scalar_prefetch = 0 : i64, scratch_operands = 5 : i64, tpu.core_type = #tpu.core_type<sc_vector_subcore>, window_params = [{transform_indices = #map}, {transform_indices = #map}, {transform_indices = #map}, {transform_indices = #map}, {transform_indices = #map}]} {
    %mul3A = arith.constant 2 : i32
    %mul3A_0 = arith.muli %arg1, %mul3A : i32
    %add3A = arith.addi %mul3A_0, %arg0 : i32
    "tpu.region"() ({
      %run_scoped3A = tpu.sem_alloc : memref<!tpu.dma_semaphore, #tpu.memory_space<semaphore_mem>>
      %dma_start3A = arith.constant 0 : i32
      %dma_start3A_223 = tpu.memref_slice %arg2[%add3A, %dma_start3A] : memref<32x8960xf32, #tpu.memory_space<hbm>> -> memref<1x8960xf32, #tpu.memory_space<hbm>>
      %dma_start3A_224 = tpu.memref_squeeze %dma_start3A_223 : memref<1x8960xf32, #tpu.memory_space<hbm>> -> memref<8960xf32, #tpu.memory_space<hbm>>
      %dma_start3A_225 = arith.constant 0 : i32
      %dma_start3A_226 = tpu.memref_slice %arg2[%add3A, %dma_start3A_225] : memref<32x8960xf32, #tpu.memory_space<hbm>> -> memref<1x8960xf32, #tpu.memory_space<hbm>>
      %dma_start3A_227 = tpu.memref_squeeze %dma_start3A_226 : memref<1x8960xf32, #tpu.memory_space<hbm>> -> memref<8960xf32, #tpu.memory_space<hbm>>
      tpu.enqueue_dma source(%dma_start3A_227 : memref<8960xf32, #tpu.memory_space<hbm>>) target(%arg7 : memref<8960xf32, #tpu.memory_space<vmem>>) target_semaphore(%run_scoped3A : memref<!tpu.dma_semaphore, #tpu.memory_space<semaphore_mem>>)
      %dma_wait3A = arith.constant 0 : i32
      %dma_wait3A_228 = tpu.memref_slice %arg2[%add3A, %dma_wait3A] : memref<32x8960xf32, #tpu.memory_space<hbm>> -> memref<1x8960xf32, #tpu.memory_space<hbm>>
      %dma_wait3A_229 = tpu.memref_squeeze %dma_wait3A_228 : memref<1x8960xf32, #tpu.memory_space<hbm>> -> memref<8960xf32, #tpu.memory_space<hbm>>
      %dma_wait3A_230 = arith.constant 0 : i32
      %dma_wait3A_231 = tpu.memref_slice %arg2[%add3A, %dma_wait3A_230] : memref<32x8960xf32, #tpu.memory_space<hbm>> -> memref<1x8960xf32, #tpu.memory_space<hbm>>
      %dma_wait3A_232 = tpu.memref_squeeze %dma_wait3A_231 : memref<1x8960xf32, #tpu.memory_space<hbm>> -> memref<8960xf32, #tpu.memory_space<hbm>>
      tpu.wait_dma2 semaphore(%run_scoped3A : memref<!tpu.dma_semaphore, #tpu.memory_space<semaphore_mem>>) src(%dma_wait3A_232 : memref<8960xf32, #tpu.memory_space<hbm>>) dst(%arg7 : memref<8960xf32, #tpu.memory_space<vmem>>)
      tpu.yield
    }) : () -> ()
    "tpu.region"() ({
      %run_scoped3A = tpu.sem_alloc : memref<!tpu.dma_semaphore, #tpu.memory_space<semaphore_mem>>
      %dma_start3A = arith.constant 0 : i32
      %dma_start3A_223 = tpu.memref_slice %arg3[%add3A, %dma_start3A] : memref<32x8960xi32, #tpu.memory_space<hbm>> -> memref<1x8960xi32, #tpu.memory_space<hbm>>
      %dma_start3A_224 = tpu.memref_squeeze %dma_start3A_223 : memref<1x8960xi32, #tpu.memory_space<hbm>> -> memref<8960xi32, #tpu.memory_space<hbm>>
      %dma_start3A_225 = arith.constant 0 : i32
      %dma_start3A_226 = tpu.memref_slice %arg3[%add3A, %dma_start3A_225] : memref<32x8960xi32, #tpu.memory_space<hbm>> -> memref<1x8960xi32, #tpu.memory_space<hbm>>
      %dma_start3A_227 = tpu.memref_squeeze %dma_start3A_226 : memref<1x8960xi32, #tpu.memory_space<hbm>> -> memref<8960xi32, #tpu.memory_space<hbm>>
      tpu.enqueue_dma source(%dma_start3A_227 : memref<8960xi32, #tpu.memory_space<hbm>>) target(%arg8 : memref<8960xi32, #tpu.memory_space<vmem>>) target_semaphore(%run_scoped3A : memref<!tpu.dma_semaphore, #tpu.memory_space<semaphore_mem>>)
      %dma_wait3A = arith.constant 0 : i32
      %dma_wait3A_228 = tpu.memref_slice %arg3[%add3A, %dma_wait3A] : memref<32x8960xi32, #tpu.memory_space<hbm>> -> memref<1x8960xi32, #tpu.memory_space<hbm>>
      %dma_wait3A_229 = tpu.memref_squeeze %dma_wait3A_228 : memref<1x8960xi32, #tpu.memory_space<hbm>> -> memref<8960xi32, #tpu.memory_space<hbm>>
      %dma_wait3A_230 = arith.constant 0 : i32
      %dma_wait3A_231 = tpu.memref_slice %arg3[%add3A, %dma_wait3A_230] : memref<32x8960xi32, #tpu.memory_space<hbm>> -> memref<1x8960xi32, #tpu.memory_space<hbm>>
      %dma_wait3A_232 = tpu.memref_squeeze %dma_wait3A_231 : memref<1x8960xi32, #tpu.memory_space<hbm>> -> memref<8960xi32, #tpu.memory_space<hbm>>
      tpu.wait_dma2 semaphore(%run_scoped3A : memref<!tpu.dma_semaphore, #tpu.memory_space<semaphore_mem>>) src(%dma_wait3A_232 : memref<8960xi32, #tpu.memory_space<hbm>>) dst(%arg8 : memref<8960xi32, #tpu.memory_space<vmem>>)
      tpu.yield
    }) : () -> ()
    "tpu.region"() ({
      %run_scoped3A = tpu.sem_alloc : memref<!tpu.dma_semaphore, #tpu.memory_space<semaphore_mem>>
      %dma_start3A = arith.constant 0 : i32
      %dma_start3A_223 = tpu.memref_slice %arg4[%add3A, %dma_start3A] : memref<32x34928xf32, #tpu.memory_space<hbm>> -> memref<1x34928xf32, #tpu.memory_space<hbm>>
      %dma_start3A_224 = tpu.memref_squeeze %dma_start3A_223 : memref<1x34928xf32, #tpu.memory_space<hbm>> -> memref<34928xf32, #tpu.memory_space<hbm>>
      %dma_start3A_225 = arith.constant 0 : i32
      %dma_start3A_226 = tpu.memref_slice %arg4[%add3A, %dma_start3A_225] : memref<32x34928xf32, #tpu.memory_space<hbm>> -> memref<1x34928xf32, #tpu.memory_space<hbm>>
      %dma_start3A_227 = tpu.memref_squeeze %dma_start3A_226 : memref<1x34928xf32, #tpu.memory_space<hbm>> -> memref<34928xf32, #tpu.memory_space<hbm>>
      tpu.enqueue_dma source(%dma_start3A_227 : memref<34928xf32, #tpu.memory_space<hbm>>) target(%arg9 : memref<34928xf32, #tpu.memory_space<vmem>>) target_semaphore(%run_scoped3A : memref<!tpu.dma_semaphore, #tpu.memory_space<semaphore_mem>>)
      %dma_wait3A = arith.constant 0 : i32
      %dma_wait3A_228 = tpu.memref_slice %arg4[%add3A, %dma_wait3A] : memref<32x34928xf32, #tpu.memory_space<hbm>> -> memref<1x34928xf32, #tpu.memory_space<hbm>>
      %dma_wait3A_229 = tpu.memref_squeeze %dma_wait3A_228 : memref<1x34928xf32, #tpu.memory_space<hbm>> -> memref<34928xf32, #tpu.memory_space<hbm>>
      %dma_wait3A_230 = arith.constant 0 : i32
      %dma_wait3A_231 = tpu.memref_slice %arg4[%add3A, %dma_wait3A_230] : memref<32x34928xf32, #tpu.memory_space<hbm>> -> memref<1x34928xf32, #tpu.memory_space<hbm>>
      %dma_wait3A_232 = tpu.memref_squeeze %dma_wait3A_231 : memref<1x34928xf32, #tpu.memory_space<hbm>> -> memref<34928xf32, #tpu.memory_space<hbm>>
      tpu.wait_dma2 semaphore(%run_scoped3A : memref<!tpu.dma_semaphore, #tpu.memory_space<semaphore_mem>>) src(%dma_wait3A_232 : memref<34928xf32, #tpu.memory_space<hbm>>) dst(%arg9 : memref<34928xf32, #tpu.memory_space<vmem>>)
      tpu.yield
    }) : () -> ()
    "tpu.region"() ({
      %run_scoped3A = tpu.sem_alloc : memref<!tpu.dma_semaphore, #tpu.memory_space<semaphore_mem>>
      %dma_start3A = arith.constant 0 : i32
      %dma_start3A_223 = tpu.memref_slice %arg5[%add3A, %dma_start3A] : memref<32x34928xf32, #tpu.memory_space<hbm>> -> memref<1x34928xf32, #tpu.memory_space<hbm>>
      %dma_start3A_224 = tpu.memref_squeeze %dma_start3A_223 : memref<1x34928xf32, #tpu.memory_space<hbm>> -> memref<34928xf32, #tpu.memory_space<hbm>>
      %dma_start3A_225 = arith.constant 0 : i32
      %dma_start3A_226 = tpu.memref_slice %arg5[%add3A, %dma_start3A_225] : memref<32x34928xf32, #tpu.memory_space<hbm>> -> memref<1x34928xf32, #tpu.memory_space<hbm>>
      %dma_start3A_227 = tpu.memref_squeeze %dma_start3A_226 : memref<1x34928xf32, #tpu.memory_space<hbm>> -> memref<34928xf32, #tpu.memory_space<hbm>>
      tpu.enqueue_dma source(%dma_start3A_227 : memref<34928xf32, #tpu.memory_space<hbm>>) target(%arg10 : memref<34928xf32, #tpu.memory_space<vmem>>) target_semaphore(%run_scoped3A : memref<!tpu.dma_semaphore, #tpu.memory_space<semaphore_mem>>)
      %dma_wait3A = arith.constant 0 : i32
      %dma_wait3A_228 = tpu.memref_slice %arg5[%add3A, %dma_wait3A] : memref<32x34928xf32, #tpu.memory_space<hbm>> -> memref<1x34928xf32, #tpu.memory_space<hbm>>
      %dma_wait3A_229 = tpu.memref_squeeze %dma_wait3A_228 : memref<1x34928xf32, #tpu.memory_space<hbm>> -> memref<34928xf32, #tpu.memory_space<hbm>>
      %dma_wait3A_230 = arith.constant 0 : i32
      %dma_wait3A_231 = tpu.memref_slice %arg5[%add3A, %dma_wait3A_230] : memref<32x34928xf32, #tpu.memory_space<hbm>> -> memref<1x34928xf32, #tpu.memory_space<hbm>>
      %dma_wait3A_232 = tpu.memref_squeeze %dma_wait3A_231 : memref<1x34928xf32, #tpu.memory_space<hbm>> -> memref<34928xf32, #tpu.memory_space<hbm>>
      tpu.wait_dma2 semaphore(%run_scoped3A : memref<!tpu.dma_semaphore, #tpu.memory_space<semaphore_mem>>) src(%dma_wait3A_232 : memref<34928xf32, #tpu.memory_space<hbm>>) dst(%arg10 : memref<34928xf32, #tpu.memory_space<vmem>>)
      tpu.yield
    }) : () -> ()
    %broadcast_in_dim3A = arith.constant 0.000000e+00 : f32
    %broadcast_in_dim3A_1 = vector.broadcast %broadcast_in_dim3A : f32 to vector<16xf32>
    %scan3A = arith.constant 0 : i32
    %scan3A_2 = arith.constant 560 : i32
    %scan3A_3 = arith.addi %scan3A, %scan3A_2 : i32
    %scan3A_4 = arith.constant 1 : i32
    %scan3A_5:3 = scf.for %scan3A_223 = %scan3A to %scan3A_3 step %scan3A_4 iter_args(%scan3A_224 = %broadcast_in_dim3A_1, %scan3A_225 = %broadcast_in_dim3A_1, %scan3A_226 = %broadcast_in_dim3A_1) -> (vector<16xf32>, vector<16xf32>, vector<16xf32>)  : i32 {
      %mul3A_227 = arith.constant 16 : i32
      %mul3A_228 = arith.muli %scan3A_223, %mul3A_227 : i32
      %get3A = arith.index_cast %mul3A_228 : i32 to index
      %get3A_229 = tpu.vector_load %arg7[%get3A] {strides = array<i32>} : memref<8960xf32, #tpu.memory_space<vmem>>, vector<16xf32>,
      %get3A_230 = vector.shape_cast %get3A_229 : vector<16xf32> to vector<16xf32>
      %mul3A_231 = arith.constant 16 : i32
      %mul3A_232 = arith.muli %scan3A_223, %mul3A_231 : i32
      %get3A_233 = arith.index_cast %mul3A_232 : i32 to index
      %get3A_234 = tpu.vector_load %arg8[%get3A_233] {strides = array<i32>} : memref<8960xi32, #tpu.memory_space<vmem>>, vector<16xi32>,
      %get3A_235 = vector.shape_cast %get3A_234 : vector<16xi32> to vector<16xi32>
      %gt3A = arith.constant 0 : i32
      %gt3A_236 = vector.broadcast %gt3A : i32 to vector<16xi32>
      %gt3A_237 = arith.cmpi sgt, %get3A_235, %gt3A_236 : vector<16xi32>
      %jit3A_238 = arith.constant 1.000000e+00 : f32
      %jit3A_239 = arith.constant 0.000000e+00 : f32
      %broadcast_in_dim3A_240 = vector.broadcast %jit3A_238 : f32 to vector<16xf32>
      %broadcast_in_dim3A_241 = vector.broadcast %jit3A_239 : f32 to vector<16xf32>
      %select_n3A_242 = arith.select %gt3A_237, %broadcast_in_dim3A_240, %broadcast_in_dim3A_241 : vector<16xi1>, vector<16xf32>
      %add3A_243 = arith.addf %scan3A_224, %select_n3A_242 : vector<16xf32>
      %jit3A_244 = arith.constant 0.000000e+00 : f32
      %broadcast_in_dim3A_245 = vector.broadcast %jit3A_244 : f32 to vector<16xf32>
      %select_n3A_246 = arith.select %gt3A_237, %get3A_230, %broadcast_in_dim3A_245 : vector<16xi1>, vector<16xf32>
      %add3A_247 = arith.addf %scan3A_225, %select_n3A_246 : vector<16xf32>
      %add3A_248 = arith.addf %scan3A_226, %get3A_230 : vector<16xf32>
      scf.yield %add3A_243, %add3A_247, %add3A_248 : vector<16xf32>, vector<16xf32>, vector<16xf32>
    }
    %scan3A_6 = arith.constant 560 : i32
    %slice3A = vector.extract_strided_slice %scan3A_5#0 {offsets = [0], sizes = [1], strides = [1]} : vector<16xf32> to vector<1xf32>
    %squeeze3A = vector.extract %slice3A[0] : f32 from vector<1xf32>
    %slice3A_7 = vector.extract_strided_slice %scan3A_5#0 {offsets = [1], sizes = [1], strides = [1]} : vector<16xf32> to vector<1xf32>
    %squeeze3A_8 = vector.extract %slice3A_7[0] : f32 from vector<1xf32>
    %add3A_9 = arith.addf %squeeze3A, %squeeze3A_8 : f32
    %slice3A_10 = vector.extract_strided_slice %scan3A_5#0 {offsets = [2], sizes = [1], strides = [1]} : vector<16xf32> to vector<1xf32>
    %squeeze3A_11 = vector.extract %slice3A_10[0] : f32 from vector<1xf32>
    %add3A_12 = arith.addf %add3A_9, %squeeze3A_11 : f32
    %slice3A_13 = vector.extract_strided_slice %scan3A_5#0 {offsets = [3], sizes = [1], strides = [1]} : vector<16xf32> to vector<1xf32>
    %squeeze3A_14 = vector.extract %slice3A_13[0] : f32 from vector<1xf32>
    %add3A_15 = arith.addf %add3A_12, %squeeze3A_14 : f32
    %slice3A_16 = vector.extract_strided_slice %scan3A_5#0 {offsets = [4], sizes = [1], strides = [1]} : vector<16xf32> to vector<1xf32>
    %squeeze3A_17 = vector.extract %slice3A_16[0] : f32 from vector<1xf32>
    %add3A_18 = arith.addf %add3A_15, %squeeze3A_17 : f32
    %slice3A_19 = vector.extract_strided_slice %scan3A_5#0 {offsets = [5], sizes = [1], strides = [1]} : vector<16xf32> to vector<1xf32>
    %squeeze3A_20 = vector.extract %slice3A_19[0] : f32 from vector<1xf32>
    %add3A_21 = arith.addf %add3A_18, %squeeze3A_20 : f32
    %slice3A_22 = vector.extract_strided_slice %scan3A_5#0 {offsets = [6], sizes = [1], strides = [1]} : vector<16xf32> to vector<1xf32>
    %squeeze3A_23 = vector.extract %slice3A_22[0] : f32 from vector<1xf32>
    %add3A_24 = arith.addf %add3A_21, %squeeze3A_23 : f32
    %slice3A_25 = vector.extract_strided_slice %scan3A_5#0 {offsets = [7], sizes = [1], strides = [1]} : vector<16xf32> to vector<1xf32>
    %squeeze3A_26 = vector.extract %slice3A_25[0] : f32 from vector<1xf32>
    %add3A_27 = arith.addf %add3A_24, %squeeze3A_26 : f32
    %slice3A_28 = vector.extract_strided_slice %scan3A_5#0 {offsets = [8], sizes = [1], strides = [1]} : vector<16xf32> to vector<1xf32>
    %squeeze3A_29 = vector.extract %slice3A_28[0] : f32 from vector<1xf32>
    %add3A_30 = arith.addf %add3A_27, %squeeze3A_29 : f32
    %slice3A_31 = vector.extract_strided_slice %scan3A_5#0 {offsets = [9], sizes = [1], strides = [1]} : vector<16xf32> to vector<1xf32>
    %squeeze3A_32 = vector.extract %slice3A_31[0] : f32 from vector<1xf32>
    %add3A_33 = arith.addf %add3A_30, %squeeze3A_32 : f32
    %slice3A_34 = vector.extract_strided_slice %scan3A_5#0 {offsets = [10], sizes = [1], strides = [1]} : vector<16xf32> to vector<1xf32>
    %squeeze3A_35 = vector.extract %slice3A_34[0] : f32 from vector<1xf32>
    %add3A_36 = arith.addf %add3A_33, %squeeze3A_35 : f32
    %slice3A_37 = vector.extract_strided_slice %scan3A_5#0 {offsets = [11], sizes = [1], strides = [1]} : vector<16xf32> to vector<1xf32>
    %squeeze3A_38 = vector.extract %slice3A_37[0] : f32 from vector<1xf32>
    %add3A_39 = arith.addf %add3A_36, %squeeze3A_38 : f32
    %slice3A_40 = vector.extract_strided_slice %scan3A_5#0 {offsets = [12], sizes = [1], strides = [1]} : vector<16xf32> to vector<1xf32>
    %squeeze3A_41 = vector.extract %slice3A_40[0] : f32 from vector<1xf32>
    %add3A_42 = arith.addf %add3A_39, %squeeze3A_41 : f32
    %slice3A_43 = vector.extract_strided_slice %scan3A_5#0 {offsets = [13], sizes = [1], strides = [1]} : vector<16xf32> to vector<1xf32>
    %squeeze3A_44 = vector.extract %slice3A_43[0] : f32 from vector<1xf32>
    %add3A_45 = arith.addf %add3A_42, %squeeze3A_44 : f32
    %slice3A_46 = vector.extract_strided_slice %scan3A_5#0 {offsets = [14], sizes = [1], strides = [1]} : vector<16xf32> to vector<1xf32>
    %squeeze3A_47 = vector.extract %slice3A_46[0] : f32 from vector<1xf32>
    %add3A_48 = arith.addf %add3A_45, %squeeze3A_47 : f32
    %slice3A_49 = vector.extract_strided_slice %scan3A_5#0 {offsets = [15], sizes = [1], strides = [1]} : vector<16xf32> to vector<1xf32>
    %squeeze3A_50 = vector.extract %slice3A_49[0] : f32 from vector<1xf32>
    %add3A_51 = arith.addf %add3A_48, %squeeze3A_50 : f32
    %slice3A_52 = vector.extract_strided_slice %scan3A_5#1 {offsets = [0], sizes = [1], strides = [1]} : vector<16xf32> to vector<1xf32>
    %squeeze3A_53 = vector.extract %slice3A_52[0] : f32 from vector<1xf32>
    %slice3A_54 = vector.extract_strided_slice %scan3A_5#1 {offsets = [1], sizes = [1], strides = [1]} : vector<16xf32> to vector<1xf32>
    %squeeze3A_55 = vector.extract %slice3A_54[0] : f32 from vector<1xf32>
    %add3A_56 = arith.addf %squeeze3A_53, %squeeze3A_55 : f32
    %slice3A_57 = vector.extract_strided_slice %scan3A_5#1 {offsets = [2], sizes = [1], strides = [1]} : vector<16xf32> to vector<1xf32>
    %squeeze3A_58 = vector.extract %slice3A_57[0] : f32 from vector<1xf32>
    %add3A_59 = arith.addf %add3A_56, %squeeze3A_58 : f32
    %slice3A_60 = vector.extract_strided_slice %scan3A_5#1 {offsets = [3], sizes = [1], strides = [1]} : vector<16xf32> to vector<1xf32>
    %squeeze3A_61 = vector.extract %slice3A_60[0] : f32 from vector<1xf32>
    %add3A_62 = arith.addf %add3A_59, %squeeze3A_61 : f32
    %slice3A_63 = vector.extract_strided_slice %scan3A_5#1 {offsets = [4], sizes = [1], strides = [1]} : vector<16xf32> to vector<1xf32>
    %squeeze3A_64 = vector.extract %slice3A_63[0] : f32 from vector<1xf32>
    %add3A_65 = arith.addf %add3A_62, %squeeze3A_64 : f32
    %slice3A_66 = vector.extract_strided_slice %scan3A_5#1 {offsets = [5], sizes = [1], strides = [1]} : vector<16xf32> to vector<1xf32>
    %squeeze3A_67 = vector.extract %slice3A_66[0] : f32 from vector<1xf32>
    %add3A_68 = arith.addf %add3A_65, %squeeze3A_67 : f32
    %slice3A_69 = vector.extract_strided_slice %scan3A_5#1 {offsets = [6], sizes = [1], strides = [1]} : vector<16xf32> to vector<1xf32>
    %squeeze3A_70 = vector.extract %slice3A_69[0] : f32 from vector<1xf32>
    %add3A_71 = arith.addf %add3A_68, %squeeze3A_70 : f32
    %slice3A_72 = vector.extract_strided_slice %scan3A_5#1 {offsets = [7], sizes = [1], strides = [1]} : vector<16xf32> to vector<1xf32>
    %squeeze3A_73 = vector.extract %slice3A_72[0] : f32 from vector<1xf32>
    %add3A_74 = arith.addf %add3A_71, %squeeze3A_73 : f32
    %slice3A_75 = vector.extract_strided_slice %scan3A_5#1 {offsets = [8], sizes = [1], strides = [1]} : vector<16xf32> to vector<1xf32>
    %squeeze3A_76 = vector.extract %slice3A_75[0] : f32 from vector<1xf32>
    %add3A_77 = arith.addf %add3A_74, %squeeze3A_76 : f32
    %slice3A_78 = vector.extract_strided_slice %scan3A_5#1 {offsets = [9], sizes = [1], strides = [1]} : vector<16xf32> to vector<1xf32>
    %squeeze3A_79 = vector.extract %slice3A_78[0] : f32 from vector<1xf32>
    %add3A_80 = arith.addf %add3A_77, %squeeze3A_79 : f32
    %slice3A_81 = vector.extract_strided_slice %scan3A_5#1 {offsets = [10], sizes = [1], strides = [1]} : vector<16xf32> to vector<1xf32>
    %squeeze3A_82 = vector.extract %slice3A_81[0] : f32 from vector<1xf32>
    %add3A_83 = arith.addf %add3A_80, %squeeze3A_82 : f32
    %slice3A_84 = vector.extract_strided_slice %scan3A_5#1 {offsets = [11], sizes = [1], strides = [1]} : vector<16xf32> to vector<1xf32>
    %squeeze3A_85 = vector.extract %slice3A_84[0] : f32 from vector<1xf32>
    %add3A_86 = arith.addf %add3A_83, %squeeze3A_85 : f32
    %slice3A_87 = vector.extract_strided_slice %scan3A_5#1 {offsets = [12], sizes = [1], strides = [1]} : vector<16xf32> to vector<1xf32>
    %squeeze3A_88 = vector.extract %slice3A_87[0] : f32 from vector<1xf32>
    %add3A_89 = arith.addf %add3A_86, %squeeze3A_88 : f32
    %slice3A_90 = vector.extract_strided_slice %scan3A_5#1 {offsets = [13], sizes = [1], strides = [1]} : vector<16xf32> to vector<1xf32>
    %squeeze3A_91 = vector.extract %slice3A_90[0] : f32 from vector<1xf32>
    %add3A_92 = arith.addf %add3A_89, %squeeze3A_91 : f32
    %slice3A_93 = vector.extract_strided_slice %scan3A_5#1 {offsets = [14], sizes = [1], strides = [1]} : vector<16xf32> to vector<1xf32>
    %squeeze3A_94 = vector.extract %slice3A_93[0] : f32 from vector<1xf32>
    %add3A_95 = arith.addf %add3A_92, %squeeze3A_94 : f32
    %slice3A_96 = vector.extract_strided_slice %scan3A_5#1 {offsets = [15], sizes = [1], strides = [1]} : vector<16xf32> to vector<1xf32>
    %squeeze3A_97 = vector.extract %slice3A_96[0] : f32 from vector<1xf32>
    %add3A_98 = arith.addf %add3A_95, %squeeze3A_97 : f32
    %slice3A_99 = vector.extract_strided_slice %scan3A_5#2 {offsets = [0], sizes = [1], strides = [1]} : vector<16xf32> to vector<1xf32>
    %squeeze3A_100 = vector.extract %slice3A_99[0] : f32 from vector<1xf32>
    %slice3A_101 = vector.extract_strided_slice %scan3A_5#2 {offsets = [1], sizes = [1], strides = [1]} : vector<16xf32> to vector<1xf32>
    %squeeze3A_102 = vector.extract %slice3A_101[0] : f32 from vector<1xf32>
    %add3A_103 = arith.addf %squeeze3A_100, %squeeze3A_102 : f32
    %slice3A_104 = vector.extract_strided_slice %scan3A_5#2 {offsets = [2], sizes = [1], strides = [1]} : vector<16xf32> to vector<1xf32>
    %squeeze3A_105 = vector.extract %slice3A_104[0] : f32 from vector<1xf32>
    %add3A_106 = arith.addf %add3A_103, %squeeze3A_105 : f32
    %slice3A_107 = vector.extract_strided_slice %scan3A_5#2 {offsets = [3], sizes = [1], strides = [1]} : vector<16xf32> to vector<1xf32>
    %squeeze3A_108 = vector.extract %slice3A_107[0] : f32 from vector<1xf32>
    %add3A_109 = arith.addf %add3A_106, %squeeze3A_108 : f32
    %slice3A_110 = vector.extract_strided_slice %scan3A_5#2 {offsets = [4], sizes = [1], strides = [1]} : vector<16xf32> to vector<1xf32>
    %squeeze3A_111 = vector.extract %slice3A_110[0] : f32 from vector<1xf32>
    %add3A_112 = arith.addf %add3A_109, %squeeze3A_111 : f32
    %slice3A_113 = vector.extract_strided_slice %scan3A_5#2 {offsets = [5], sizes = [1], strides = [1]} : vector<16xf32> to vector<1xf32>
    %squeeze3A_114 = vector.extract %slice3A_113[0] : f32 from vector<1xf32>
    %add3A_115 = arith.addf %add3A_112, %squeeze3A_114 : f32
    %slice3A_116 = vector.extract_strided_slice %scan3A_5#2 {offsets = [6], sizes = [1], strides = [1]} : vector<16xf32> to vector<1xf32>
    %squeeze3A_117 = vector.extract %slice3A_116[0] : f32 from vector<1xf32>
    %add3A_118 = arith.addf %add3A_115, %squeeze3A_117 : f32
    %slice3A_119 = vector.extract_strided_slice %scan3A_5#2 {offsets = [7], sizes = [1], strides = [1]} : vector<16xf32> to vector<1xf32>
    %squeeze3A_120 = vector.extract %slice3A_119[0] : f32 from vector<1xf32>
    %add3A_121 = arith.addf %add3A_118, %squeeze3A_120 : f32
    %slice3A_122 = vector.extract_strided_slice %scan3A_5#2 {offsets = [8], sizes = [1], strides = [1]} : vector<16xf32> to vector<1xf32>
    %squeeze3A_123 = vector.extract %slice3A_122[0] : f32 from vector<1xf32>
    %add3A_124 = arith.addf %add3A_121, %squeeze3A_123 : f32
    %slice3A_125 = vector.extract_strided_slice %scan3A_5#2 {offsets = [9], sizes = [1], strides = [1]} : vector<16xf32> to vector<1xf32>
    %squeeze3A_126 = vector.extract %slice3A_125[0] : f32 from vector<1xf32>
    %add3A_127 = arith.addf %add3A_124, %squeeze3A_126 : f32
    %slice3A_128 = vector.extract_strided_slice %scan3A_5#2 {offsets = [10], sizes = [1], strides = [1]} : vector<16xf32> to vector<1xf32>
    %squeeze3A_129 = vector.extract %slice3A_128[0] : f32 from vector<1xf32>
    %add3A_130 = arith.addf %add3A_127, %squeeze3A_129 : f32
    %slice3A_131 = vector.extract_strided_slice %scan3A_5#2 {offsets = [11], sizes = [1], strides = [1]} : vector<16xf32> to vector<1xf32>
    %squeeze3A_132 = vector.extract %slice3A_131[0] : f32 from vector<1xf32>
    %add3A_133 = arith.addf %add3A_130, %squeeze3A_132 : f32
    %slice3A_134 = vector.extract_strided_slice %scan3A_5#2 {offsets = [12], sizes = [1], strides = [1]} : vector<16xf32> to vector<1xf32>
    %squeeze3A_135 = vector.extract %slice3A_134[0] : f32 from vector<1xf32>
    %add3A_136 = arith.addf %add3A_133, %squeeze3A_135 : f32
    %slice3A_137 = vector.extract_strided_slice %scan3A_5#2 {offsets = [13], sizes = [1], strides = [1]} : vector<16xf32> to vector<1xf32>
    %squeeze3A_138 = vector.extract %slice3A_137[0] : f32 from vector<1xf32>
    %add3A_139 = arith.addf %add3A_136, %squeeze3A_138 : f32
    %slice3A_140 = vector.extract_strided_slice %scan3A_5#2 {offsets = [14], sizes = [1], strides = [1]} : vector<16xf32> to vector<1xf32>
    %squeeze3A_141 = vector.extract %slice3A_140[0] : f32 from vector<1xf32>
    %add3A_142 = arith.addf %add3A_139, %squeeze3A_141 : f32
    %slice3A_143 = vector.extract_strided_slice %scan3A_5#2 {offsets = [15], sizes = [1], strides = [1]} : vector<16xf32> to vector<1xf32>
    %squeeze3A_144 = vector.extract %slice3A_143[0] : f32 from vector<1xf32>
    %add3A_145 = arith.addf %add3A_142, %squeeze3A_144 : f32
    %mul3A_146 = arith.constant 3.000000e+00 : f32
    %mul3A_147 = arith.mulf %mul3A_146, %add3A_51 : f32
    %iota3A = tpu.iota {dimensions = array<i32: 0>} : vector<16xi32>
    %scan3A_148 = arith.constant 0 : i32
    %scan3A_149 = arith.constant 545 : i32
    %scan3A_150 = arith.addi %scan3A_148, %scan3A_149 : i32
    %scan3A_151 = arith.constant 1 : i32
    %scan3A_152 = scf.for %scan3A_223 = %scan3A_148 to %scan3A_150 step %scan3A_151 iter_args(%scan3A_224 = %broadcast_in_dim3A_1) -> (vector<16xf32>)  : i32 {
      %mul3A_225 = arith.constant 16 : i32
      %mul3A_226 = arith.muli %scan3A_223, %mul3A_225 : i32
      %get3A = arith.index_cast %mul3A_226 : i32 to index
      %get3A_227 = tpu.vector_load %arg8[%get3A] {strides = array<i32>} : memref<8960xi32, #tpu.memory_space<vmem>>, vector<16xi32>,
      %get3A_228 = vector.shape_cast %get3A_227 : vector<16xi32> to vector<16xi32>
      %mul3A_229 = arith.constant 64 : i32
      %mul3A_230 = arith.muli %scan3A_223, %mul3A_229 : i32
      %add3A_231 = arith.constant 0 : i32
      %add3A_232 = arith.addi %mul3A_230, %add3A_231 : i32
      %get3A_233 = arith.index_cast %add3A_232 : i32 to index
      %get3A_234 = tpu.vector_load %arg9[%get3A_233] {strides = array<i32>} : memref<34928xf32, #tpu.memory_space<vmem>>, vector<16xf32>,
      %get3A_235 = vector.shape_cast %get3A_234 : vector<16xf32> to vector<16xf32>
      %mul3A_236 = arith.constant 64 : i32
      %mul3A_237 = arith.muli %scan3A_223, %mul3A_236 : i32
      %add3A_238 = arith.constant 0 : i32
      %add3A_239 = arith.addi %mul3A_237, %add3A_238 : i32
      %get3A_240 = arith.index_cast %add3A_239 : i32 to index
      %get3A_241 = tpu.vector_load %arg10[%get3A_240] {strides = array<i32>} : memref<34928xf32, #tpu.memory_space<vmem>>, vector<16xf32>,
      %get3A_242 = vector.shape_cast %get3A_241 : vector<16xf32> to vector<16xf32>
      %sub3A = arith.subf %get3A_235, %get3A_242 : vector<16xf32>
      %abs3A = math.absf %sub3A : vector<16xf32>
      %lt3A = arith.constant 1.000000e+00 : f32
      %lt3A_243 = vector.broadcast %lt3A : f32 to vector<16xf32>
      %lt3A_244 = arith.cmpf olt, %abs3A, %lt3A_243 : vector<16xf32>
      %mul3A_245 = arith.constant 5.000000e-01 : f32
      %mul3A_246 = vector.broadcast %mul3A_245 : f32 to vector<16xf32>
      %mul3A_247 = arith.mulf %mul3A_246, %sub3A : vector<16xf32>
      %mul3A_248 = arith.mulf %mul3A_247, %sub3A : vector<16xf32>
      %sub3A_249 = arith.constant 5.000000e-01 : f32
      %sub3A_250 = vector.broadcast %sub3A_249 : f32 to vector<16xf32>
      %sub3A_251 = arith.subf %abs3A, %sub3A_250 : vector<16xf32>
      %select_n3A_252 = arith.select %lt3A_244, %mul3A_248, %sub3A_251 : vector<16xi1>, vector<16xf32>
      %slice3A_253 = vector.extract_strided_slice %get3A_228 {offsets = [0], sizes = [1], strides = [1]} : vector<16xi32> to vector<1xi32>
      %squeeze3A_254 = vector.extract %slice3A_253[0] : i32 from vector<1xi32>
      %gt3A = arith.constant 0 : i32
      %gt3A_255 = arith.cmpi sgt, %squeeze3A_254, %gt3A : i32
      %jit3A_256 = arith.constant 1.000000e+00 : f32
      %jit3A_257 = arith.constant 0.000000e+00 : f32
      %select_n3A_258 = arith.select %gt3A_255, %jit3A_256, %jit3A_257 : f32
      %slice3A_259 = vector.extract_strided_slice %get3A_228 {offsets = [1], sizes = [1], strides = [1]} : vector<16xi32> to vector<1xi32>
      %squeeze3A_260 = vector.extract %slice3A_259[0] : i32 from vector<1xi32>
      %gt3A_261 = arith.constant 0 : i32
      %gt3A_262 = arith.cmpi sgt, %squeeze3A_260, %gt3A_261 : i32
      %jit3A_263 = arith.constant 1.000000e+00 : f32
      %jit3A_264 = arith.constant 0.000000e+00 : f32
      %select_n3A_265 = arith.select %gt3A_262, %jit3A_263, %jit3A_264 : f32
      %slice3A_266 = vector.extract_strided_slice %get3A_228 {offsets = [2], sizes = [1], strides = [1]} : vector<16xi32> to vector<1xi32>
      %squeeze3A_267 = vector.extract %slice3A_266[0] : i32 from vector<1xi32>
      %gt3A_268 = arith.constant 0 : i32
      %gt3A_269 = arith.cmpi sgt, %squeeze3A_267, %gt3A_268 : i32
      %jit3A_270 = arith.constant 1.000000e+00 : f32
      %jit3A_271 = arith.constant 0.000000e+00 : f32
      %select_n3A_272 = arith.select %gt3A_269, %jit3A_270, %jit3A_271 : f32
      %slice3A_273 = vector.extract_strided_slice %get3A_228 {offsets = [3], sizes = [1], strides = [1]} : vector<16xi32> to vector<1xi32>
      %squeeze3A_274 = vector.extract %slice3A_273[0] : i32 from vector<1xi32>
      %gt3A_275 = arith.constant 0 : i32
      %gt3A_276 = arith.cmpi sgt, %squeeze3A_274, %gt3A_275 : i32
      %jit3A_277 = arith.constant 1.000000e+00 : f32
      %jit3A_278 = arith.constant 0.000000e+00 : f32
      %select_n3A_279 = arith.select %gt3A_276, %jit3A_277, %jit3A_278 : f32
      %lt3A_280 = arith.constant 4 : i32
      %lt3A_281 = vector.broadcast %lt3A_280 : i32 to vector<16xi32>
      %lt3A_282 = arith.cmpi slt, %iota3A, %lt3A_281 : vector<16xi32>
      %lt3A_283 = arith.constant 8 : i32
      %lt3A_284 = vector.broadcast %lt3A_283 : i32 to vector<16xi32>
      %lt3A_285 = arith.cmpi slt, %iota3A, %lt3A_284 : vector<16xi32>
      %lt3A_286 = arith.constant 12 : i32
      %lt3A_287 = vector.broadcast %lt3A_286 : i32 to vector<16xi32>
      %lt3A_288 = arith.cmpi slt, %iota3A, %lt3A_287 : vector<16xi32>
      %broadcast_in_dim3A_289 = vector.broadcast %select_n3A_272 : f32 to vector<16xf32>
      %broadcast_in_dim3A_290 = vector.broadcast %select_n3A_279 : f32 to vector<16xf32>
      %select_n3A_291 = arith.select %lt3A_288, %broadcast_in_dim3A_289, %broadcast_in_dim3A_290 : vector<16xi1>, vector<16xf32>
      %broadcast_in_dim3A_292 = vector.broadcast %select_n3A_265 : f32 to vector<16xf32>
      %select_n3A_293 = arith.select %lt3A_285, %broadcast_in_dim3A_292, %select_n3A_291 : vector<16xi1>, vector<16xf32>
      %broadcast_in_dim3A_294 = vector.broadcast %select_n3A_258 : f32 to vector<16xf32>
      %select_n3A_295 = arith.select %lt3A_282, %broadcast_in_dim3A_294, %select_n3A_293 : vector<16xi1>, vector<16xf32>
      %mul3A_296 = arith.mulf %select_n3A_252, %select_n3A_295 : vector<16xf32>
      %add3A_297 = arith.addf %scan3A_224, %mul3A_296 : vector<16xf32>
      %mul3A_298 = arith.constant 64 : i32
      %mul3A_299 = arith.muli %scan3A_223, %mul3A_298 : i32
      %add3A_300 = arith.constant 16 : i32
      %add3A_301 = arith.addi %mul3A_299, %add3A_300 : i32
      %get3A_302 = arith.index_cast %add3A_301 : i32 to index
      %get3A_303 = tpu.vector_load %arg9[%get3A_302] {strides = array<i32>} : memref<34928xf32, #tpu.memory_space<vmem>>, vector<16xf32>,
      %get3A_304 = vector.shape_cast %get3A_303 : vector<16xf32> to vector<16xf32>
      %mul3A_305 = arith.constant 64 : i32
      %mul3A_306 = arith.muli %scan3A_223, %mul3A_305 : i32
      %add3A_307 = arith.constant 16 : i32
      %add3A_308 = arith.addi %mul3A_306, %add3A_307 : i32
      %get3A_309 = arith.index_cast %add3A_308 : i32 to index
      %get3A_310 = tpu.vector_load %arg10[%get3A_309] {strides = array<i32>} : memref<34928xf32, #tpu.memory_space<vmem>>, vector<16xf32>,
      %get3A_311 = vector.shape_cast %get3A_310 : vector<16xf32> to vector<16xf32>
      %sub3A_312 = arith.subf %get3A_304, %get3A_311 : vector<16xf32>
      %abs3A_313 = math.absf %sub3A_312 : vector<16xf32>
      %lt3A_314 = arith.constant 1.000000e+00 : f32
      %lt3A_315 = vector.broadcast %lt3A_314 : f32 to vector<16xf32>
      %lt3A_316 = arith.cmpf olt, %abs3A_313, %lt3A_315 : vector<16xf32>
      %mul3A_317 = arith.constant 5.000000e-01 : f32
      %mul3A_318 = vector.broadcast %mul3A_317 : f32 to vector<16xf32>
      %mul3A_319 = arith.mulf %mul3A_318, %sub3A_312 : vector<16xf32>
      %mul3A_320 = arith.mulf %mul3A_319, %sub3A_312 : vector<16xf32>
      %sub3A_321 = arith.constant 5.000000e-01 : f32
      %sub3A_322 = vector.broadcast %sub3A_321 : f32 to vector<16xf32>
      %sub3A_323 = arith.subf %abs3A_313, %sub3A_322 : vector<16xf32>
      %select_n3A_324 = arith.select %lt3A_316, %mul3A_320, %sub3A_323 : vector<16xi1>, vector<16xf32>
      %slice3A_325 = vector.extract_strided_slice %get3A_228 {offsets = [4], sizes = [1], strides = [1]} : vector<16xi32> to vector<1xi32>
      %squeeze3A_326 = vector.extract %slice3A_325[0] : i32 from vector<1xi32>
      %gt3A_327 = arith.constant 0 : i32
      %gt3A_328 = arith.cmpi sgt, %squeeze3A_326, %gt3A_327 : i32
      %jit3A_329 = arith.constant 1.000000e+00 : f32
      %jit3A_330 = arith.constant 0.000000e+00 : f32
      %select_n3A_331 = arith.select %gt3A_328, %jit3A_329, %jit3A_330 : f32
      %slice3A_332 = vector.extract_strided_slice %get3A_228 {offsets = [5], sizes = [1], strides = [1]} : vector<16xi32> to vector<1xi32>
      %squeeze3A_333 = vector.extract %slice3A_332[0] : i32 from vector<1xi32>
      %gt3A_334 = arith.constant 0 : i32
      %gt3A_335 = arith.cmpi sgt, %squeeze3A_333, %gt3A_334 : i32
      %jit3A_336 = arith.constant 1.000000e+00 : f32
      %jit3A_337 = arith.constant 0.000000e+00 : f32
      %select_n3A_338 = arith.select %gt3A_335, %jit3A_336, %jit3A_337 : f32
      %slice3A_339 = vector.extract_strided_slice %get3A_228 {offsets = [6], sizes = [1], strides = [1]} : vector<16xi32> to vector<1xi32>
      %squeeze3A_340 = vector.extract %slice3A_339[0] : i32 from vector<1xi32>
      %gt3A_341 = arith.constant 0 : i32
      %gt3A_342 = arith.cmpi sgt, %squeeze3A_340, %gt3A_341 : i32
      %jit3A_343 = arith.constant 1.000000e+00 : f32
      %jit3A_344 = arith.constant 0.000000e+00 : f32
      %select_n3A_345 = arith.select %gt3A_342, %jit3A_343, %jit3A_344 : f32
      %slice3A_346 = vector.extract_strided_slice %get3A_228 {offsets = [7], sizes = [1], strides = [1]} : vector<16xi32> to vector<1xi32>
      %squeeze3A_347 = vector.extract %slice3A_346[0] : i32 from vector<1xi32>
      %gt3A_348 = arith.constant 0 : i32
      %gt3A_349 = arith.cmpi sgt, %squeeze3A_347, %gt3A_348 : i32
      %jit3A_350 = arith.constant 1.000000e+00 : f32
      %jit3A_351 = arith.constant 0.000000e+00 : f32
      %select_n3A_352 = arith.select %gt3A_349, %jit3A_350, %jit3A_351 : f32
      %lt3A_353 = arith.constant 4 : i32
      %lt3A_354 = vector.broadcast %lt3A_353 : i32 to vector<16xi32>
      %lt3A_355 = arith.cmpi slt, %iota3A, %lt3A_354 : vector<16xi32>
      %lt3A_356 = arith.constant 8 : i32
      %lt3A_357 = vector.broadcast %lt3A_356 : i32 to vector<16xi32>
      %lt3A_358 = arith.cmpi slt, %iota3A, %lt3A_357 : vector<16xi32>
      %lt3A_359 = arith.constant 12 : i32
      %lt3A_360 = vector.broadcast %lt3A_359 : i32 to vector<16xi32>
      %lt3A_361 = arith.cmpi slt, %iota3A, %lt3A_360 : vector<16xi32>
      %broadcast_in_dim3A_362 = vector.broadcast %select_n3A_345 : f32 to vector<16xf32>
      %broadcast_in_dim3A_363 = vector.broadcast %select_n3A_352 : f32 to vector<16xf32>
      %select_n3A_364 = arith.select %lt3A_361, %broadcast_in_dim3A_362, %broadcast_in_dim3A_363 : vector<16xi1>, vector<16xf32>
      %broadcast_in_dim3A_365 = vector.broadcast %select_n3A_338 : f32 to vector<16xf32>
      %select_n3A_366 = arith.select %lt3A_358, %broadcast_in_dim3A_365, %select_n3A_364 : vector<16xi1>, vector<16xf32>
      %broadcast_in_dim3A_367 = vector.broadcast %select_n3A_331 : f32 to vector<16xf32>
      %select_n3A_368 = arith.select %lt3A_355, %broadcast_in_dim3A_367, %select_n3A_366 : vector<16xi1>, vector<16xf32>
      %mul3A_369 = arith.mulf %select_n3A_324, %select_n3A_368 : vector<16xf32>
      %add3A_370 = arith.addf %add3A_297, %mul3A_369 : vector<16xf32>
      %mul3A_371 = arith.constant 64 : i32
      %mul3A_372 = arith.muli %scan3A_223, %mul3A_371 : i32
      %add3A_373 = arith.constant 32 : i32
      %add3A_374 = arith.addi %mul3A_372, %add3A_373 : i32
      %get3A_375 = arith.index_cast %add3A_374 : i32 to index
      %get3A_376 = tpu.vector_load %arg9[%get3A_375] {strides = array<i32>} : memref<34928xf32, #tpu.memory_space<vmem>>, vector<16xf32>,
      %get3A_377 = vector.shape_cast %get3A_376 : vector<16xf32> to vector<16xf32>
      %mul3A_378 = arith.constant 64 : i32
      %mul3A_379 = arith.muli %scan3A_223, %mul3A_378 : i32
      %add3A_380 = arith.constant 32 : i32
      %add3A_381 = arith.addi %mul3A_379, %add3A_380 : i32
      %get3A_382 = arith.index_cast %add3A_381 : i32 to index
      %get3A_383 = tpu.vector_load %arg10[%get3A_382] {strides = array<i32>} : memref<34928xf32, #tpu.memory_space<vmem>>, vector<16xf32>,
      %get3A_384 = vector.shape_cast %get3A_383 : vector<16xf32> to vector<16xf32>
      %sub3A_385 = arith.subf %get3A_377, %get3A_384 : vector<16xf32>
      %abs3A_386 = math.absf %sub3A_385 : vector<16xf32>
      %lt3A_387 = arith.constant 1.000000e+00 : f32
      %lt3A_388 = vector.broadcast %lt3A_387 : f32 to vector<16xf32>
      %lt3A_389 = arith.cmpf olt, %abs3A_386, %lt3A_388 : vector<16xf32>
      %mul3A_390 = arith.constant 5.000000e-01 : f32
      %mul3A_391 = vector.broadcast %mul3A_390 : f32 to vector<16xf32>
      %mul3A_392 = arith.mulf %mul3A_391, %sub3A_385 : vector<16xf32>
      %mul3A_393 = arith.mulf %mul3A_392, %sub3A_385 : vector<16xf32>
      %sub3A_394 = arith.constant 5.000000e-01 : f32
      %sub3A_395 = vector.broadcast %sub3A_394 : f32 to vector<16xf32>
      %sub3A_396 = arith.subf %abs3A_386, %sub3A_395 : vector<16xf32>
      %select_n3A_397 = arith.select %lt3A_389, %mul3A_393, %sub3A_396 : vector<16xi1>, vector<16xf32>
      %slice3A_398 = vector.extract_strided_slice %get3A_228 {offsets = [8], sizes = [1], strides = [1]} : vector<16xi32> to vector<1xi32>
      %squeeze3A_399 = vector.extract %slice3A_398[0] : i32 from vector<1xi32>
      %gt3A_400 = arith.constant 0 : i32
      %gt3A_401 = arith.cmpi sgt, %squeeze3A_399, %gt3A_400 : i32
      %jit3A_402 = arith.constant 1.000000e+00 : f32
      %jit3A_403 = arith.constant 0.000000e+00 : f32
      %select_n3A_404 = arith.select %gt3A_401, %jit3A_402, %jit3A_403 : f32
      %slice3A_405 = vector.extract_strided_slice %get3A_228 {offsets = [9], sizes = [1], strides = [1]} : vector<16xi32> to vector<1xi32>
      %squeeze3A_406 = vector.extract %slice3A_405[0] : i32 from vector<1xi32>
      %gt3A_407 = arith.constant 0 : i32
      %gt3A_408 = arith.cmpi sgt, %squeeze3A_406, %gt3A_407 : i32
      %jit3A_409 = arith.constant 1.000000e+00 : f32
      %jit3A_410 = arith.constant 0.000000e+00 : f32
      %select_n3A_411 = arith.select %gt3A_408, %jit3A_409, %jit3A_410 : f32
      %slice3A_412 = vector.extract_strided_slice %get3A_228 {offsets = [10], sizes = [1], strides = [1]} : vector<16xi32> to vector<1xi32>
      %squeeze3A_413 = vector.extract %slice3A_412[0] : i32 from vector<1xi32>
      %gt3A_414 = arith.constant 0 : i32
      %gt3A_415 = arith.cmpi sgt, %squeeze3A_413, %gt3A_414 : i32
      %jit3A_416 = arith.constant 1.000000e+00 : f32
      %jit3A_417 = arith.constant 0.000000e+00 : f32
      %select_n3A_418 = arith.select %gt3A_415, %jit3A_416, %jit3A_417 : f32
      %slice3A_419 = vector.extract_strided_slice %get3A_228 {offsets = [11], sizes = [1], strides = [1]} : vector<16xi32> to vector<1xi32>
      %squeeze3A_420 = vector.extract %slice3A_419[0] : i32 from vector<1xi32>
      %gt3A_421 = arith.constant 0 : i32
      %gt3A_422 = arith.cmpi sgt, %squeeze3A_420, %gt3A_421 : i32
      %jit3A_423 = arith.constant 1.000000e+00 : f32
      %jit3A_424 = arith.constant 0.000000e+00 : f32
      %select_n3A_425 = arith.select %gt3A_422, %jit3A_423, %jit3A_424 : f32
      %lt3A_426 = arith.constant 4 : i32
      %lt3A_427 = vector.broadcast %lt3A_426 : i32 to vector<16xi32>
      %lt3A_428 = arith.cmpi slt, %iota3A, %lt3A_427 : vector<16xi32>
      %lt3A_429 = arith.constant 8 : i32
      %lt3A_430 = vector.broadcast %lt3A_429 : i32 to vector<16xi32>
      %lt3A_431 = arith.cmpi slt, %iota3A, %lt3A_430 : vector<16xi32>
      %lt3A_432 = arith.constant 12 : i32
      %lt3A_433 = vector.broadcast %lt3A_432 : i32 to vector<16xi32>
      %lt3A_434 = arith.cmpi slt, %iota3A, %lt3A_433 : vector<16xi32>
      %broadcast_in_dim3A_435 = vector.broadcast %select_n3A_418 : f32 to vector<16xf32>
      %broadcast_in_dim3A_436 = vector.broadcast %select_n3A_425 : f32 to vector<16xf32>
      %select_n3A_437 = arith.select %lt3A_434, %broadcast_in_dim3A_435, %broadcast_in_dim3A_436 : vector<16xi1>, vector<16xf32>
      %broadcast_in_dim3A_438 = vector.broadcast %select_n3A_411 : f32 to vector<16xf32>
      %select_n3A_439 = arith.select %lt3A_431, %broadcast_in_dim3A_438, %select_n3A_437 : vector<16xi1>, vector<16xf32>
      %broadcast_in_dim3A_440 = vector.broadcast %select_n3A_404 : f32 to vector<16xf32>
      %select_n3A_441 = arith.select %lt3A_428, %broadcast_in_dim3A_440, %select_n3A_439 : vector<16xi1>, vector<16xf32>
      %mul3A_442 = arith.mulf %select_n3A_397, %select_n3A_441 : vector<16xf32>
      %add3A_443 = arith.addf %add3A_370, %mul3A_442 : vector<16xf32>
      %mul3A_444 = arith.constant 64 : i32
      %mul3A_445 = arith.muli %scan3A_223, %mul3A_444 : i32
      %add3A_446 = arith.constant 48 : i32
      %add3A_447 = arith.addi %mul3A_445, %add3A_446 : i32
      %get3A_448 = arith.index_cast %add3A_447 : i32 to index
      %get3A_449 = tpu.vector_load %arg9[%get3A_448] {strides = array<i32>} : memref<34928xf32, #tpu.memory_space<vmem>>, vector<16xf32>,
      %get3A_450 = vector.shape_cast %get3A_449 : vector<16xf32> to vector<16xf32>
      %mul3A_451 = arith.constant 64 : i32
      %mul3A_452 = arith.muli %scan3A_223, %mul3A_451 : i32
      %add3A_453 = arith.constant 48 : i32
      %add3A_454 = arith.addi %mul3A_452, %add3A_453 : i32
      %get3A_455 = arith.index_cast %add3A_454 : i32 to index
      %get3A_456 = tpu.vector_load %arg10[%get3A_455] {strides = array<i32>} : memref<34928xf32, #tpu.memory_space<vmem>>, vector<16xf32>,
      %get3A_457 = vector.shape_cast %get3A_456 : vector<16xf32> to vector<16xf32>
      %sub3A_458 = arith.subf %get3A_450, %get3A_457 : vector<16xf32>
      %abs3A_459 = math.absf %sub3A_458 : vector<16xf32>
      %lt3A_460 = arith.constant 1.000000e+00 : f32
      %lt3A_461 = vector.broadcast %lt3A_460 : f32 to vector<16xf32>
      %lt3A_462 = arith.cmpf olt, %abs3A_459, %lt3A_461 : vector<16xf32>
      %mul3A_463 = arith.constant 5.000000e-01 : f32
      %mul3A_464 = vector.broadcast %mul3A_463 : f32 to vector<16xf32>
      %mul3A_465 = arith.mulf %mul3A_464, %sub3A_458 : vector<16xf32>
      %mul3A_466 = arith.mulf %mul3A_465, %sub3A_458 : vector<16xf32>
      %sub3A_467 = arith.constant 5.000000e-01 : f32
      %sub3A_468 = vector.broadcast %sub3A_467 : f32 to vector<16xf32>
      %sub3A_469 = arith.subf %abs3A_459, %sub3A_468 : vector<16xf32>
      %select_n3A_470 = arith.select %lt3A_462, %mul3A_466, %sub3A_469 : vector<16xi1>, vector<16xf32>
      %slice3A_471 = vector.extract_strided_slice %get3A_228 {offsets = [12], sizes = [1], strides = [1]} : vector<16xi32> to vector<1xi32>
      %squeeze3A_472 = vector.extract %slice3A_471[0] : i32 from vector<1xi32>
      %gt3A_473 = arith.constant 0 : i32
      %gt3A_474 = arith.cmpi sgt, %squeeze3A_472, %gt3A_473 : i32
      %jit3A_475 = arith.constant 1.000000e+00 : f32
      %jit3A_476 = arith.constant 0.000000e+00 : f32
      %select_n3A_477 = arith.select %gt3A_474, %jit3A_475, %jit3A_476 : f32
      %slice3A_478 = vector.extract_strided_slice %get3A_228 {offsets = [13], sizes = [1], strides = [1]} : vector<16xi32> to vector<1xi32>
      %squeeze3A_479 = vector.extract %slice3A_478[0] : i32 from vector<1xi32>
      %gt3A_480 = arith.constant 0 : i32
      %gt3A_481 = arith.cmpi sgt, %squeeze3A_479, %gt3A_480 : i32
      %jit3A_482 = arith.constant 1.000000e+00 : f32
      %jit3A_483 = arith.constant 0.000000e+00 : f32
      %select_n3A_484 = arith.select %gt3A_481, %jit3A_482, %jit3A_483 : f32
      %slice3A_485 = vector.extract_strided_slice %get3A_228 {offsets = [14], sizes = [1], strides = [1]} : vector<16xi32> to vector<1xi32>
      %squeeze3A_486 = vector.extract %slice3A_485[0] : i32 from vector<1xi32>
      %gt3A_487 = arith.constant 0 : i32
      %gt3A_488 = arith.cmpi sgt, %squeeze3A_486, %gt3A_487 : i32
      %jit3A_489 = arith.constant 1.000000e+00 : f32
      %jit3A_490 = arith.constant 0.000000e+00 : f32
      %select_n3A_491 = arith.select %gt3A_488, %jit3A_489, %jit3A_490 : f32
      %slice3A_492 = vector.extract_strided_slice %get3A_228 {offsets = [15], sizes = [1], strides = [1]} : vector<16xi32> to vector<1xi32>
      %squeeze3A_493 = vector.extract %slice3A_492[0] : i32 from vector<1xi32>
      %gt3A_494 = arith.constant 0 : i32
      %gt3A_495 = arith.cmpi sgt, %squeeze3A_493, %gt3A_494 : i32
      %jit3A_496 = arith.constant 1.000000e+00 : f32
      %jit3A_497 = arith.constant 0.000000e+00 : f32
      %select_n3A_498 = arith.select %gt3A_495, %jit3A_496, %jit3A_497 : f32
      %lt3A_499 = arith.constant 4 : i32
      %lt3A_500 = vector.broadcast %lt3A_499 : i32 to vector<16xi32>
      %lt3A_501 = arith.cmpi slt, %iota3A, %lt3A_500 : vector<16xi32>
      %lt3A_502 = arith.constant 8 : i32
      %lt3A_503 = vector.broadcast %lt3A_502 : i32 to vector<16xi32>
      %lt3A_504 = arith.cmpi slt, %iota3A, %lt3A_503 : vector<16xi32>
      %lt3A_505 = arith.constant 12 : i32
      %lt3A_506 = vector.broadcast %lt3A_505 : i32 to vector<16xi32>
      %lt3A_507 = arith.cmpi slt, %iota3A, %lt3A_506 : vector<16xi32>
      %broadcast_in_dim3A_508 = vector.broadcast %select_n3A_491 : f32 to vector<16xf32>
      %broadcast_in_dim3A_509 = vector.broadcast %select_n3A_498 : f32 to vector<16xf32>
      %select_n3A_510 = arith.select %lt3A_507, %broadcast_in_dim3A_508, %broadcast_in_dim3A_509 : vector<16xi1>, vector<16xf32>
      %broadcast_in_dim3A_511 = vector.broadcast %select_n3A_484 : f32 to vector<16xf32>
      %select_n3A_512 = arith.select %lt3A_504, %broadcast_in_dim3A_511, %select_n3A_510 : vector<16xi1>, vector<16xf32>
      %broadcast_in_dim3A_513 = vector.broadcast %select_n3A_477 : f32 to vector<16xf32>
      %select_n3A_514 = arith.select %lt3A_501, %broadcast_in_dim3A_513, %select_n3A_512 : vector<16xi1>, vector<16xf32>
      %mul3A_515 = arith.mulf %select_n3A_470, %select_n3A_514 : vector<16xf32>
      %add3A_516 = arith.addf %add3A_443, %mul3A_515 : vector<16xf32>
      scf.yield %add3A_516 : vector<16xf32>
    }
    %scan3A_153 = arith.constant 545 : i32
    %slice3A_154 = vector.extract_strided_slice %scan3A_152 {offsets = [0], sizes = [1], strides = [1]} : vector<16xf32> to vector<1xf32>
    %squeeze3A_155 = vector.extract %slice3A_154[0] : f32 from vector<1xf32>
    %slice3A_156 = vector.extract_strided_slice %scan3A_152 {offsets = [1], sizes = [1], strides = [1]} : vector<16xf32> to vector<1xf32>
    %squeeze3A_157 = vector.extract %slice3A_156[0] : f32 from vector<1xf32>
    %add3A_158 = arith.addf %squeeze3A_155, %squeeze3A_157 : f32
    %slice3A_159 = vector.extract_strided_slice %scan3A_152 {offsets = [2], sizes = [1], strides = [1]} : vector<16xf32> to vector<1xf32>
    %squeeze3A_160 = vector.extract %slice3A_159[0] : f32 from vector<1xf32>
    %add3A_161 = arith.addf %add3A_158, %squeeze3A_160 : f32
    %slice3A_162 = vector.extract_strided_slice %scan3A_152 {offsets = [3], sizes = [1], strides = [1]} : vector<16xf32> to vector<1xf32>
    %squeeze3A_163 = vector.extract %slice3A_162[0] : f32 from vector<1xf32>
    %add3A_164 = arith.addf %add3A_161, %squeeze3A_163 : f32
    %slice3A_165 = vector.extract_strided_slice %scan3A_152 {offsets = [4], sizes = [1], strides = [1]} : vector<16xf32> to vector<1xf32>
    %squeeze3A_166 = vector.extract %slice3A_165[0] : f32 from vector<1xf32>
    %add3A_167 = arith.addf %add3A_164, %squeeze3A_166 : f32
    %slice3A_168 = vector.extract_strided_slice %scan3A_152 {offsets = [5], sizes = [1], strides = [1]} : vector<16xf32> to vector<1xf32>
    %squeeze3A_169 = vector.extract %slice3A_168[0] : f32 from vector<1xf32>
    %add3A_170 = arith.addf %add3A_167, %squeeze3A_169 : f32
    %slice3A_171 = vector.extract_strided_slice %scan3A_152 {offsets = [6], sizes = [1], strides = [1]} : vector<16xf32> to vector<1xf32>
    %squeeze3A_172 = vector.extract %slice3A_171[0] : f32 from vector<1xf32>
    %add3A_173 = arith.addf %add3A_170, %squeeze3A_172 : f32
    %slice3A_174 = vector.extract_strided_slice %scan3A_152 {offsets = [7], sizes = [1], strides = [1]} : vector<16xf32> to vector<1xf32>
    %squeeze3A_175 = vector.extract %slice3A_174[0] : f32 from vector<1xf32>
    %add3A_176 = arith.addf %add3A_173, %squeeze3A_175 : f32
    %slice3A_177 = vector.extract_strided_slice %scan3A_152 {offsets = [8], sizes = [1], strides = [1]} : vector<16xf32> to vector<1xf32>
    %squeeze3A_178 = vector.extract %slice3A_177[0] : f32 from vector<1xf32>
    %add3A_179 = arith.addf %add3A_176, %squeeze3A_178 : f32
    %slice3A_180 = vector.extract_strided_slice %scan3A_152 {offsets = [9], sizes = [1], strides = [1]} : vector<16xf32> to vector<1xf32>
    %squeeze3A_181 = vector.extract %slice3A_180[0] : f32 from vector<1xf32>
    %add3A_182 = arith.addf %add3A_179, %squeeze3A_181 : f32
    %slice3A_183 = vector.extract_strided_slice %scan3A_152 {offsets = [10], sizes = [1], strides = [1]} : vector<16xf32> to vector<1xf32>
    %squeeze3A_184 = vector.extract %slice3A_183[0] : f32 from vector<1xf32>
    %add3A_185 = arith.addf %add3A_182, %squeeze3A_184 : f32
    %slice3A_186 = vector.extract_strided_slice %scan3A_152 {offsets = [11], sizes = [1], strides = [1]} : vector<16xf32> to vector<1xf32>
    %squeeze3A_187 = vector.extract %slice3A_186[0] : f32 from vector<1xf32>
    %add3A_188 = arith.addf %add3A_185, %squeeze3A_187 : f32
    %slice3A_189 = vector.extract_strided_slice %scan3A_152 {offsets = [12], sizes = [1], strides = [1]} : vector<16xf32> to vector<1xf32>
    %squeeze3A_190 = vector.extract %slice3A_189[0] : f32 from vector<1xf32>
    %add3A_191 = arith.addf %add3A_188, %squeeze3A_190 : f32
    %slice3A_192 = vector.extract_strided_slice %scan3A_152 {offsets = [13], sizes = [1], strides = [1]} : vector<16xf32> to vector<1xf32>
    %squeeze3A_193 = vector.extract %slice3A_192[0] : f32 from vector<1xf32>
    %add3A_194 = arith.addf %add3A_191, %squeeze3A_193 : f32
    %slice3A_195 = vector.extract_strided_slice %scan3A_152 {offsets = [14], sizes = [1], strides = [1]} : vector<16xf32> to vector<1xf32>
    %squeeze3A_196 = vector.extract %slice3A_195[0] : f32 from vector<1xf32>
    %add3A_197 = arith.addf %add3A_194, %squeeze3A_196 : f32
    %slice3A_198 = vector.extract_strided_slice %scan3A_152 {offsets = [15], sizes = [1], strides = [1]} : vector<16xf32> to vector<1xf32>
    %squeeze3A_199 = vector.extract %slice3A_198[0] : f32 from vector<1xf32>
    %add3A_200 = arith.addf %add3A_197, %squeeze3A_199 : f32
    %ge3A = arith.constant 8.732000e+03 : f32
    %ge3A_201 = arith.cmpf oge, %mul3A_147, %ge3A : f32
    %convert_element_type3A = arith.extui %ge3A_201 : i1 to i32
    %cond3A = arith.constant 0 : i32
    %cond3A_202 = arith.constant 0 : i32
    %cond3A_203 = arith.cmpi ne, %convert_element_type3A, %cond3A_202 : i32
    %cond3A_204 = scf.if %cond3A_203 -> (f32) {
      scf.yield %add3A_145 : f32
    } else {
      %scan3A_223 = arith.constant 0 : i32
      %scan3A_224 = arith.constant 0 : i32
      %scan3A_225 = arith.constant 31 : i32
      %scan3A_226 = arith.addi %scan3A_224, %scan3A_225 : i32
      %scan3A_227 = arith.constant 1 : i32
      %scan3A_228 = scf.for %scan3A_332 = %scan3A_224 to %scan3A_226 step %scan3A_227 iter_args(%scan3A_333 = %scan3A_223) -> (i32)  : i32 {
        %sub3A_334 = arith.constant 30 : i32
        %sub3A_335 = arith.subi %sub3A_334, %scan3A_332 : i32
        %shift_left3A = arith.constant 1 : i32
        %shift_left3A_336 = arith.shli %shift_left3A, %sub3A_335 : i32
        %or3A = arith.ori %scan3A_333, %shift_left3A_336 : i32
        %bitcast_convert_type3A_337 = arith.bitcast %or3A : i32 to f32
        %scan3A_338 = arith.constant 0 : i32
        %scan3A_339 = arith.constant 560 : i32
        %scan3A_340 = arith.addi %scan3A_338, %scan3A_339 : i32
        %scan3A_341 = arith.constant 1 : i32
        %scan3A_342 = scf.for %scan3A_393 = %scan3A_338 to %scan3A_340 step %scan3A_341 iter_args(%scan3A_394 = %broadcast_in_dim3A_1) -> (vector<16xf32>)  : i32 {
          %mul3A_395 = arith.constant 16 : i32
          %mul3A_396 = arith.muli %scan3A_393, %mul3A_395 : i32
          %get3A = arith.index_cast %mul3A_396 : i32 to index
          %get3A_397 = tpu.vector_load %arg7[%get3A] {strides = array<i32>} : memref<8960xf32, #tpu.memory_space<vmem>>, vector<16xf32>,
          %get3A_398 = vector.shape_cast %get3A_397 : vector<16xf32> to vector<16xf32>
          %ge3A_399 = vector.broadcast %bitcast_convert_type3A_337 : f32 to vector<16xf32>
          %ge3A_400 = arith.cmpf oge, %get3A_398, %ge3A_399 : vector<16xf32>
          %jit3A_401 = arith.constant 1.000000e+00 : f32
          %jit3A_402 = arith.constant 0.000000e+00 : f32
          %broadcast_in_dim3A_403 = vector.broadcast %jit3A_401 : f32 to vector<16xf32>
          %broadcast_in_dim3A_404 = vector.broadcast %jit3A_402 : f32 to vector<16xf32>
          %select_n3A_405 = arith.select %ge3A_400, %broadcast_in_dim3A_403, %broadcast_in_dim3A_404 : vector<16xi1>, vector<16xf32>
          %add3A_406 = arith.addf %scan3A_394, %select_n3A_405 : vector<16xf32>
          scf.yield %add3A_406 : vector<16xf32>
        }
        %scan3A_343 = arith.constant 560 : i32
        %slice3A_344 = vector.extract_strided_slice %scan3A_342 {offsets = [0], sizes = [1], strides = [1]} : vector<16xf32> to vector<1xf32>
        %squeeze3A_345 = vector.extract %slice3A_344[0] : f32 from vector<1xf32>
        %slice3A_346 = vector.extract_strided_slice %scan3A_342 {offsets = [1], sizes = [1], strides = [1]} : vector<16xf32> to vector<1xf32>
        %squeeze3A_347 = vector.extract %slice3A_346[0] : f32 from vector<1xf32>
        %add3A_348 = arith.addf %squeeze3A_345, %squeeze3A_347 : f32
        %slice3A_349 = vector.extract_strided_slice %scan3A_342 {offsets = [2], sizes = [1], strides = [1]} : vector<16xf32> to vector<1xf32>
        %squeeze3A_350 = vector.extract %slice3A_349[0] : f32 from vector<1xf32>
        %add3A_351 = arith.addf %add3A_348, %squeeze3A_350 : f32
        %slice3A_352 = vector.extract_strided_slice %scan3A_342 {offsets = [3], sizes = [1], strides = [1]} : vector<16xf32> to vector<1xf32>
        %squeeze3A_353 = vector.extract %slice3A_352[0] : f32 from vector<1xf32>
        %add3A_354 = arith.addf %add3A_351, %squeeze3A_353 : f32
        %slice3A_355 = vector.extract_strided_slice %scan3A_342 {offsets = [4], sizes = [1], strides = [1]} : vector<16xf32> to vector<1xf32>
        %squeeze3A_356 = vector.extract %slice3A_355[0] : f32 from vector<1xf32>
        %add3A_357 = arith.addf %add3A_354, %squeeze3A_356 : f32
        %slice3A_358 = vector.extract_strided_slice %scan3A_342 {offsets = [5], sizes = [1], strides = [1]} : vector<16xf32> to vector<1xf32>
        %squeeze3A_359 = vector.extract %slice3A_358[0] : f32 from vector<1xf32>
        %add3A_360 = arith.addf %add3A_357, %squeeze3A_359 : f32
        %slice3A_361 = vector.extract_strided_slice %scan3A_342 {offsets = [6], sizes = [1], strides = [1]} : vector<16xf32> to vector<1xf32>
        %squeeze3A_362 = vector.extract %slice3A_361[0] : f32 from vector<1xf32>
        %add3A_363 = arith.addf %add3A_360, %squeeze3A_362 : f32
        %slice3A_364 = vector.extract_strided_slice %scan3A_342 {offsets = [7], sizes = [1], strides = [1]} : vector<16xf32> to vector<1xf32>
        %squeeze3A_365 = vector.extract %slice3A_364[0] : f32 from vector<1xf32>
        %add3A_366 = arith.addf %add3A_363, %squeeze3A_365 : f32
        %slice3A_367 = vector.extract_strided_slice %scan3A_342 {offsets = [8], sizes = [1], strides = [1]} : vector<16xf32> to vector<1xf32>
        %squeeze3A_368 = vector.extract %slice3A_367[0] : f32 from vector<1xf32>
        %add3A_369 = arith.addf %add3A_366, %squeeze3A_368 : f32
        %slice3A_370 = vector.extract_strided_slice %scan3A_342 {offsets = [9], sizes = [1], strides = [1]} : vector<16xf32> to vector<1xf32>
        %squeeze3A_371 = vector.extract %slice3A_370[0] : f32 from vector<1xf32>
        %add3A_372 = arith.addf %add3A_369, %squeeze3A_371 : f32
        %slice3A_373 = vector.extract_strided_slice %scan3A_342 {offsets = [10], sizes = [1], strides = [1]} : vector<16xf32> to vector<1xf32>
        %squeeze3A_374 = vector.extract %slice3A_373[0] : f32 from vector<1xf32>
        %add3A_375 = arith.addf %add3A_372, %squeeze3A_374 : f32
        %slice3A_376 = vector.extract_strided_slice %scan3A_342 {offsets = [11], sizes = [1], strides = [1]} : vector<16xf32> to vector<1xf32>
        %squeeze3A_377 = vector.extract %slice3A_376[0] : f32 from vector<1xf32>
        %add3A_378 = arith.addf %add3A_375, %squeeze3A_377 : f32
        %slice3A_379 = vector.extract_strided_slice %scan3A_342 {offsets = [12], sizes = [1], strides = [1]} : vector<16xf32> to vector<1xf32>
        %squeeze3A_380 = vector.extract %slice3A_379[0] : f32 from vector<1xf32>
        %add3A_381 = arith.addf %add3A_378, %squeeze3A_380 : f32
        %slice3A_382 = vector.extract_strided_slice %scan3A_342 {offsets = [13], sizes = [1], strides = [1]} : vector<16xf32> to vector<1xf32>
        %squeeze3A_383 = vector.extract %slice3A_382[0] : f32 from vector<1xf32>
        %add3A_384 = arith.addf %add3A_381, %squeeze3A_383 : f32
        %slice3A_385 = vector.extract_strided_slice %scan3A_342 {offsets = [14], sizes = [1], strides = [1]} : vector<16xf32> to vector<1xf32>
        %squeeze3A_386 = vector.extract %slice3A_385[0] : f32 from vector<1xf32>
        %add3A_387 = arith.addf %add3A_384, %squeeze3A_386 : f32
        %slice3A_388 = vector.extract_strided_slice %scan3A_342 {offsets = [15], sizes = [1], strides = [1]} : vector<16xf32> to vector<1xf32>
        %squeeze3A_389 = vector.extract %slice3A_388[0] : f32 from vector<1xf32>
        %add3A_390 = arith.addf %add3A_387, %squeeze3A_389 : f32
        %ge3A_391 = arith.cmpf oge, %add3A_390, %mul3A_147 : f32
        %select_n3A_392 = arith.select %ge3A_391, %or3A, %scan3A_333 : i32
        scf.yield %select_n3A_392 : i32
      }
      %scan3A_229 = arith.constant 31 : i32
      %bitcast_convert_type3A = arith.bitcast %scan3A_228 : i32 to f32
      %scan3A_230 = arith.constant 0 : i32
      %scan3A_231 = arith.constant 560 : i32
      %scan3A_232 = arith.addi %scan3A_230, %scan3A_231 : i32
      %scan3A_233 = arith.constant 1 : i32
      %scan3A_234:2 = scf.for %scan3A_332 = %scan3A_230 to %scan3A_232 step %scan3A_233 iter_args(%scan3A_333 = %broadcast_in_dim3A_1, %scan3A_334 = %broadcast_in_dim3A_1) -> (vector<16xf32>, vector<16xf32>)  : i32 {
        %mul3A_335 = arith.constant 16 : i32
        %mul3A_336 = arith.muli %scan3A_332, %mul3A_335 : i32
        %get3A = arith.index_cast %mul3A_336 : i32 to index
        %get3A_337 = tpu.vector_load %arg7[%get3A] {strides = array<i32>} : memref<8960xf32, #tpu.memory_space<vmem>>, vector<16xf32>,
        %get3A_338 = vector.shape_cast %get3A_337 : vector<16xf32> to vector<16xf32>
        %gt3A = vector.broadcast %bitcast_convert_type3A : f32 to vector<16xf32>
        %gt3A_339 = arith.cmpf ogt, %get3A_338, %gt3A : vector<16xf32>
        %jit3A_340 = arith.constant 1.000000e+00 : f32
        %jit3A_341 = arith.constant 0.000000e+00 : f32
        %broadcast_in_dim3A_342 = vector.broadcast %jit3A_340 : f32 to vector<16xf32>
        %broadcast_in_dim3A_343 = vector.broadcast %jit3A_341 : f32 to vector<16xf32>
        %select_n3A_344 = arith.select %gt3A_339, %broadcast_in_dim3A_342, %broadcast_in_dim3A_343 : vector<16xi1>, vector<16xf32>
        %add3A_345 = arith.addf %scan3A_333, %select_n3A_344 : vector<16xf32>
        %jit3A_346 = arith.constant 0.000000e+00 : f32
        %broadcast_in_dim3A_347 = vector.broadcast %jit3A_346 : f32 to vector<16xf32>
        %select_n3A_348 = arith.select %gt3A_339, %get3A_338, %broadcast_in_dim3A_347 : vector<16xi1>, vector<16xf32>
        %add3A_349 = arith.addf %scan3A_334, %select_n3A_348 : vector<16xf32>
        scf.yield %add3A_345, %add3A_349 : vector<16xf32>, vector<16xf32>
      }
      %scan3A_235 = arith.constant 560 : i32
      %slice3A_236 = vector.extract_strided_slice %scan3A_234#0 {offsets = [0], sizes = [1], strides = [1]} : vector<16xf32> to vector<1xf32>
      %squeeze3A_237 = vector.extract %slice3A_236[0] : f32 from vector<1xf32>
      %slice3A_238 = vector.extract_strided_slice %scan3A_234#0 {offsets = [1], sizes = [1], strides = [1]} : vector<16xf32> to vector<1xf32>
      %squeeze3A_239 = vector.extract %slice3A_238[0] : f32 from vector<1xf32>
      %add3A_240 = arith.addf %squeeze3A_237, %squeeze3A_239 : f32
      %slice3A_241 = vector.extract_strided_slice %scan3A_234#0 {offsets = [2], sizes = [1], strides = [1]} : vector<16xf32> to vector<1xf32>
      %squeeze3A_242 = vector.extract %slice3A_241[0] : f32 from vector<1xf32>
      %add3A_243 = arith.addf %add3A_240, %squeeze3A_242 : f32
      %slice3A_244 = vector.extract_strided_slice %scan3A_234#0 {offsets = [3], sizes = [1], strides = [1]} : vector<16xf32> to vector<1xf32>
      %squeeze3A_245 = vector.extract %slice3A_244[0] : f32 from vector<1xf32>
      %add3A_246 = arith.addf %add3A_243, %squeeze3A_245 : f32
      %slice3A_247 = vector.extract_strided_slice %scan3A_234#0 {offsets = [4], sizes = [1], strides = [1]} : vector<16xf32> to vector<1xf32>
      %squeeze3A_248 = vector.extract %slice3A_247[0] : f32 from vector<1xf32>
      %add3A_249 = arith.addf %add3A_246, %squeeze3A_248 : f32
      %slice3A_250 = vector.extract_strided_slice %scan3A_234#0 {offsets = [5], sizes = [1], strides = [1]} : vector<16xf32> to vector<1xf32>
      %squeeze3A_251 = vector.extract %slice3A_250[0] : f32 from vector<1xf32>
      %add3A_252 = arith.addf %add3A_249, %squeeze3A_251 : f32
      %slice3A_253 = vector.extract_strided_slice %scan3A_234#0 {offsets = [6], sizes = [1], strides = [1]} : vector<16xf32> to vector<1xf32>
      %squeeze3A_254 = vector.extract %slice3A_253[0] : f32 from vector<1xf32>
      %add3A_255 = arith.addf %add3A_252, %squeeze3A_254 : f32
      %slice3A_256 = vector.extract_strided_slice %scan3A_234#0 {offsets = [7], sizes = [1], strides = [1]} : vector<16xf32> to vector<1xf32>
      %squeeze3A_257 = vector.extract %slice3A_256[0] : f32 from vector<1xf32>
      %add3A_258 = arith.addf %add3A_255, %squeeze3A_257 : f32
      %slice3A_259 = vector.extract_strided_slice %scan3A_234#0 {offsets = [8], sizes = [1], strides = [1]} : vector<16xf32> to vector<1xf32>
      %squeeze3A_260 = vector.extract %slice3A_259[0] : f32 from vector<1xf32>
      %add3A_261 = arith.addf %add3A_258, %squeeze3A_260 : f32
      %slice3A_262 = vector.extract_strided_slice %scan3A_234#0 {offsets = [9], sizes = [1], strides = [1]} : vector<16xf32> to vector<1xf32>
      %squeeze3A_263 = vector.extract %slice3A_262[0] : f32 from vector<1xf32>
      %add3A_264 = arith.addf %add3A_261, %squeeze3A_263 : f32
      %slice3A_265 = vector.extract_strided_slice %scan3A_234#0 {offsets = [10], sizes = [1], strides = [1]} : vector<16xf32> to vector<1xf32>
      %squeeze3A_266 = vector.extract %slice3A_265[0] : f32 from vector<1xf32>
      %add3A_267 = arith.addf %add3A_264, %squeeze3A_266 : f32
      %slice3A_268 = vector.extract_strided_slice %scan3A_234#0 {offsets = [11], sizes = [1], strides = [1]} : vector<16xf32> to vector<1xf32>
      %squeeze3A_269 = vector.extract %slice3A_268[0] : f32 from vector<1xf32>
      %add3A_270 = arith.addf %add3A_267, %squeeze3A_269 : f32
      %slice3A_271 = vector.extract_strided_slice %scan3A_234#0 {offsets = [12], sizes = [1], strides = [1]} : vector<16xf32> to vector<1xf32>
      %squeeze3A_272 = vector.extract %slice3A_271[0] : f32 from vector<1xf32>
      %add3A_273 = arith.addf %add3A_270, %squeeze3A_272 : f32
      %slice3A_274 = vector.extract_strided_slice %scan3A_234#0 {offsets = [13], sizes = [1], strides = [1]} : vector<16xf32> to vector<1xf32>
      %squeeze3A_275 = vector.extract %slice3A_274[0] : f32 from vector<1xf32>
      %add3A_276 = arith.addf %add3A_273, %squeeze3A_275 : f32
      %slice3A_277 = vector.extract_strided_slice %scan3A_234#0 {offsets = [14], sizes = [1], strides = [1]} : vector<16xf32> to vector<1xf32>
      %squeeze3A_278 = vector.extract %slice3A_277[0] : f32 from vector<1xf32>
      %add3A_279 = arith.addf %add3A_276, %squeeze3A_278 : f32
      %slice3A_280 = vector.extract_strided_slice %scan3A_234#0 {offsets = [15], sizes = [1], strides = [1]} : vector<16xf32> to vector<1xf32>
      %squeeze3A_281 = vector.extract %slice3A_280[0] : f32 from vector<1xf32>
      %add3A_282 = arith.addf %add3A_279, %squeeze3A_281 : f32
      %slice3A_283 = vector.extract_strided_slice %scan3A_234#1 {offsets = [0], sizes = [1], strides = [1]} : vector<16xf32> to vector<1xf32>
      %squeeze3A_284 = vector.extract %slice3A_283[0] : f32 from vector<1xf32>
      %slice3A_285 = vector.extract_strided_slice %scan3A_234#1 {offsets = [1], sizes = [1], strides = [1]} : vector<16xf32> to vector<1xf32>
      %squeeze3A_286 = vector.extract %slice3A_285[0] : f32 from vector<1xf32>
      %add3A_287 = arith.addf %squeeze3A_284, %squeeze3A_286 : f32
      %slice3A_288 = vector.extract_strided_slice %scan3A_234#1 {offsets = [2], sizes = [1], strides = [1]} : vector<16xf32> to vector<1xf32>
      %squeeze3A_289 = vector.extract %slice3A_288[0] : f32 from vector<1xf32>
      %add3A_290 = arith.addf %add3A_287, %squeeze3A_289 : f32
      %slice3A_291 = vector.extract_strided_slice %scan3A_234#1 {offsets = [3], sizes = [1], strides = [1]} : vector<16xf32> to vector<1xf32>
      %squeeze3A_292 = vector.extract %slice3A_291[0] : f32 from vector<1xf32>
      %add3A_293 = arith.addf %add3A_290, %squeeze3A_292 : f32
      %slice3A_294 = vector.extract_strided_slice %scan3A_234#1 {offsets = [4], sizes = [1], strides = [1]} : vector<16xf32> to vector<1xf32>
      %squeeze3A_295 = vector.extract %slice3A_294[0] : f32 from vector<1xf32>
      %add3A_296 = arith.addf %add3A_293, %squeeze3A_295 : f32
      %slice3A_297 = vector.extract_strided_slice %scan3A_234#1 {offsets = [5], sizes = [1], strides = [1]} : vector<16xf32> to vector<1xf32>
      %squeeze3A_298 = vector.extract %slice3A_297[0] : f32 from vector<1xf32>
      %add3A_299 = arith.addf %add3A_296, %squeeze3A_298 : f32
      %slice3A_300 = vector.extract_strided_slice %scan3A_234#1 {offsets = [6], sizes = [1], strides = [1]} : vector<16xf32> to vector<1xf32>
      %squeeze3A_301 = vector.extract %slice3A_300[0] : f32 from vector<1xf32>
      %add3A_302 = arith.addf %add3A_299, %squeeze3A_301 : f32
      %slice3A_303 = vector.extract_strided_slice %scan3A_234#1 {offsets = [7], sizes = [1], strides = [1]} : vector<16xf32> to vector<1xf32>
      %squeeze3A_304 = vector.extract %slice3A_303[0] : f32 from vector<1xf32>
      %add3A_305 = arith.addf %add3A_302, %squeeze3A_304 : f32
      %slice3A_306 = vector.extract_strided_slice %scan3A_234#1 {offsets = [8], sizes = [1], strides = [1]} : vector<16xf32> to vector<1xf32>
      %squeeze3A_307 = vector.extract %slice3A_306[0] : f32 from vector<1xf32>
      %add3A_308 = arith.addf %add3A_305, %squeeze3A_307 : f32
      %slice3A_309 = vector.extract_strided_slice %scan3A_234#1 {offsets = [9], sizes = [1], strides = [1]} : vector<16xf32> to vector<1xf32>
      %squeeze3A_310 = vector.extract %slice3A_309[0] : f32 from vector<1xf32>
      %add3A_311 = arith.addf %add3A_308, %squeeze3A_310 : f32
      %slice3A_312 = vector.extract_strided_slice %scan3A_234#1 {offsets = [10], sizes = [1], strides = [1]} : vector<16xf32> to vector<1xf32>
      %squeeze3A_313 = vector.extract %slice3A_312[0] : f32 from vector<1xf32>
      %add3A_314 = arith.addf %add3A_311, %squeeze3A_313 : f32
      %slice3A_315 = vector.extract_strided_slice %scan3A_234#1 {offsets = [11], sizes = [1], strides = [1]} : vector<16xf32> to vector<1xf32>
      %squeeze3A_316 = vector.extract %slice3A_315[0] : f32 from vector<1xf32>
      %add3A_317 = arith.addf %add3A_314, %squeeze3A_316 : f32
      %slice3A_318 = vector.extract_strided_slice %scan3A_234#1 {offsets = [12], sizes = [1], strides = [1]} : vector<16xf32> to vector<1xf32>
      %squeeze3A_319 = vector.extract %slice3A_318[0] : f32 from vector<1xf32>
      %add3A_320 = arith.addf %add3A_317, %squeeze3A_319 : f32
      %slice3A_321 = vector.extract_strided_slice %scan3A_234#1 {offsets = [13], sizes = [1], strides = [1]} : vector<16xf32> to vector<1xf32>
      %squeeze3A_322 = vector.extract %slice3A_321[0] : f32 from vector<1xf32>
      %add3A_323 = arith.addf %add3A_320, %squeeze3A_322 : f32
      %slice3A_324 = vector.extract_strided_slice %scan3A_234#1 {offsets = [14], sizes = [1], strides = [1]} : vector<16xf32> to vector<1xf32>
      %squeeze3A_325 = vector.extract %slice3A_324[0] : f32 from vector<1xf32>
      %add3A_326 = arith.addf %add3A_323, %squeeze3A_325 : f32
      %slice3A_327 = vector.extract_strided_slice %scan3A_234#1 {offsets = [15], sizes = [1], strides = [1]} : vector<16xf32> to vector<1xf32>
      %squeeze3A_328 = vector.extract %slice3A_327[0] : f32 from vector<1xf32>
      %add3A_329 = arith.addf %add3A_326, %squeeze3A_328 : f32
      %sub3A = arith.subf %mul3A_147, %add3A_282 : f32
      %mul3A_330 = arith.mulf %sub3A, %bitcast_convert_type3A : f32
      %add3A_331 = arith.addf %add3A_329, %mul3A_330 : f32
      scf.yield %add3A_331 : f32
    }
    %add3A_205 = arith.addf %add3A_98, %cond3A_204 : f32
    %eq3A = arith.constant 0 : i32
    %eq3A_206 = vector.broadcast %eq3A : i32 to vector<16xi32>
    %eq3A_207 = arith.cmpi eq, %iota3A, %eq3A_206 : vector<16xi32>
    %eq3A_208 = arith.constant 1 : i32
    %eq3A_209 = vector.broadcast %eq3A_208 : i32 to vector<16xi32>
    %eq3A_210 = arith.cmpi eq, %iota3A, %eq3A_209 : vector<16xi32>
    %eq3A_211 = arith.constant 2 : i32
    %eq3A_212 = vector.broadcast %eq3A_211 : i32 to vector<16xi32>
    %eq3A_213 = arith.cmpi eq, %iota3A, %eq3A_212 : vector<16xi32>
    %jit3A = arith.constant 0.000000e+00 : f32
    %broadcast_in_dim3A_214 = vector.broadcast %add3A_200 : f32 to vector<16xf32>
    %broadcast_in_dim3A_215 = vector.broadcast %jit3A : f32 to vector<16xf32>
    %select_n3A = arith.select %eq3A_213, %broadcast_in_dim3A_214, %broadcast_in_dim3A_215 : vector<16xi1>, vector<16xf32>
    %broadcast_in_dim3A_216 = vector.broadcast %add3A_51 : f32 to vector<16xf32>
    %select_n3A_217 = arith.select %eq3A_210, %broadcast_in_dim3A_216, %select_n3A : vector<16xi1>, vector<16xf32>
    %broadcast_in_dim3A_218 = vector.broadcast %add3A_205 : f32 to vector<16xf32>
    %select_n3A_219 = arith.select %eq3A_207, %broadcast_in_dim3A_218, %select_n3A_217 : vector<16xi1>, vector<16xf32>
    %swap3A = arith.constant 0 : index
    %swap3A_220 = tpu.vector_load %arg11[%swap3A] {strides = array<i32>} : memref<16xf32, #tpu.memory_space<vmem>>, vector<16xf32>,
    %swap3A_221 = vector.shape_cast %swap3A_220 : vector<16xf32> to vector<16xf32>
    %swap3A_222 = vector.shape_cast %select_n3A_219 : vector<16xf32> to vector<16xf32>
    tpu.vector_store %arg11[%swap3A], %swap3A_222 {strides = array<i32>} : memref<16xf32, #tpu.memory_space<vmem>>, vector<16xf32>,
    "tpu.region"() ({
      %run_scoped3A = tpu.sem_alloc : memref<!tpu.dma_semaphore, #tpu.memory_space<semaphore_mem>>
      %dma_start3A = arith.constant 0 : i32
      %dma_start3A_223 = tpu.memref_slice %arg6[%add3A, %dma_start3A] : memref<32x16xf32, #tpu.memory_space<hbm>> -> memref<1x16xf32, #tpu.memory_space<hbm>>
      %dma_start3A_224 = tpu.memref_squeeze %dma_start3A_223 : memref<1x16xf32, #tpu.memory_space<hbm>> -> memref<16xf32, #tpu.memory_space<hbm>>
      %dma_start3A_225 = arith.constant 0 : i32
      %dma_start3A_226 = tpu.memref_slice %arg6[%add3A, %dma_start3A_225] : memref<32x16xf32, #tpu.memory_space<hbm>> -> memref<1x16xf32, #tpu.memory_space<hbm>>
      %dma_start3A_227 = tpu.memref_squeeze %dma_start3A_226 : memref<1x16xf32, #tpu.memory_space<hbm>> -> memref<16xf32, #tpu.memory_space<hbm>>
      tpu.enqueue_dma source(%arg11 : memref<16xf32, #tpu.memory_space<vmem>>) target(%dma_start3A_227 : memref<16xf32, #tpu.memory_space<hbm>>) target_semaphore(%run_scoped3A : memref<!tpu.dma_semaphore, #tpu.memory_space<semaphore_mem>>)
      %dma_wait3A = arith.constant 0 : i32
      %dma_wait3A_228 = tpu.memref_slice %arg6[%add3A, %dma_wait3A] : memref<32x16xf32, #tpu.memory_space<hbm>> -> memref<1x16xf32, #tpu.memory_space<hbm>>
      %dma_wait3A_229 = tpu.memref_squeeze %dma_wait3A_228 : memref<1x16xf32, #tpu.memory_space<hbm>> -> memref<16xf32, #tpu.memory_space<hbm>>
      %dma_wait3A_230 = arith.constant 0 : i32
      %dma_wait3A_231 = tpu.memref_slice %arg6[%add3A, %dma_wait3A_230] : memref<32x16xf32, #tpu.memory_space<hbm>> -> memref<1x16xf32, #tpu.memory_space<hbm>>
      %dma_wait3A_232 = tpu.memref_squeeze %dma_wait3A_231 : memref<1x16xf32, #tpu.memory_space<hbm>> -> memref<16xf32, #tpu.memory_space<hbm>>
      tpu.wait_dma2 semaphore(%run_scoped3A : memref<!tpu.dma_semaphore, #tpu.memory_space<semaphore_mem>>) src(%arg11 : memref<16xf32, #tpu.memory_space<vmem>>) dst(%dma_wait3A_232 : memref<16xf32, #tpu.memory_space<hbm>>)
      tpu.yield
    }) : () -> ()
    return
  }
}

module attributes {stable_mosaic.version = 14 : i64} {
  func.func @_tc_kernel(%arg0: i32, %arg1: memref<1x8960x81xf32, #tpu.memory_space<vmem>>, %arg2: memref<1x1x8960xi32, #tpu.memory_space<vmem>>, %arg3: memref<1x1x8960xf32, #tpu.memory_space<vmem>>) attributes {dimension_semantics = [#tpu.dimension_semantics<arbitrary>], iteration_bounds = array<i64: 32>, scalar_prefetch = 0 : i64, scratch_operands = 0 : i64, tpu.core_type = #tpu.core_type<tc>, window_params = [{transform_indices = @transform_0, window_bounds = array<i64: 1, 8960, 81>}, {transform_indices = @transform_1, window_bounds = array<i64: 1, 1, 8960>}, {transform_indices = @transform_2, window_bounds = array<i64: 1, 1, 8960>}]} {
    %get3A = arith.constant 0 : index
    %get3A_0 = arith.constant 0 : index
    %get3A_1 = arith.constant 0 : index
    %get3A_2 = vector.load %arg1[%get3A, %get3A_0, %get3A_1] : memref<1x8960x81xf32, #tpu.memory_space<vmem>>, vector<1x8960x81xf32>
    %get3A_3 = vector.shape_cast %get3A_2 : vector<1x8960x81xf32> to vector<8960x81xf32>
    %get3A_4 = arith.constant 0 : index
    %get3A_5 = arith.constant 0 : index
    %get3A_6 = arith.constant 0 : index
    %get3A_7 = vector.load %arg2[%get3A_4, %get3A_5, %get3A_6] : memref<1x1x8960xi32, #tpu.memory_space<vmem>>, vector<1x1x8960xi32>
    %get3A_8 = vector.shape_cast %get3A_7 : vector<1x1x8960xi32> to vector<1x8960xi32>
    %transpose3A = tpu.transpose %get3A_8, [1, 0] : vector<1x8960xi32> -> vector<8960x1xi32>
    %exp3A = math.exp %get3A_3 : vector<8960x81xf32>
    %iota3A = tpu.iota {dimensions = array<i32: 1>} : vector<8960x81xi32>
    %eq3A = vector.broadcast %transpose3A : vector<8960x1xi32> to vector<8960x81xi32>
    %eq3A_9 = arith.cmpi eq, %iota3A, %eq3A : vector<8960x81xi32>
    %jit3A = arith.constant 0.000000e+00 : f32
    %broadcast_in_dim3A = vector.broadcast %jit3A : f32 to vector<8960x81xf32>
    %select_n3A = arith.select %eq3A_9, %get3A_3, %broadcast_in_dim3A : vector<8960x81xi1>, vector<8960x81xf32>
    %broadcast_in_dim3A_10 = arith.constant 1.000000e+00 : f32
    %broadcast_in_dim3A_11 = vector.broadcast %broadcast_in_dim3A_10 : f32 to vector<1x81xf32>
    %dot_general3A = arith.constant dense<0.000000e+00> : vector<1x8960xf32>
    %dot_general3A_12 = tpu.matmul %broadcast_in_dim3A_11, %exp3A, %dot_general3A {dimension_numbers = #tpu.dot_dimension_numbers<[1], [1], [0], [0], [0, 0, 1, 0], [], []>, transpose_lhs_hint = false} : vector<1x81xf32>, vector<8960x81xf32>, vector<1x8960xf32> -> vector<1x8960xf32>
    %dot_general3A_13 = arith.constant dense<0.000000e+00> : vector<1x8960xf32>
    %dot_general3A_14 = tpu.matmul %broadcast_in_dim3A_11, %select_n3A, %dot_general3A_13 {dimension_numbers = #tpu.dot_dimension_numbers<[1], [1], [0], [0], [0, 0, 1, 0], [], []>, transpose_lhs_hint = false} : vector<1x81xf32>, vector<8960x81xf32>, vector<1x8960xf32> -> vector<1x8960xf32>
    %iota3A_15 = tpu.iota {dimensions = array<i32: 1>} : vector<1x8960xi32>
    %log3A = math.log %dot_general3A_12 : vector<1x8960xf32>
    %sub3A = arith.subf %log3A, %dot_general3A_14 : vector<1x8960xf32>
    %max3A = arith.constant 0.000000e+00 : f32
    %max3A_16 = vector.broadcast %max3A : f32 to vector<1x8960xf32>
    %max3A_17 = arith.maximumf %sub3A, %max3A_16 : vector<1x8960xf32>
    %lt3A = arith.constant 8732 : i32
    %lt3A_18 = vector.broadcast %lt3A : i32 to vector<1x8960xi32>
    %lt3A_19 = arith.cmpi slt, %iota3A_15, %lt3A_18 : vector<1x8960xi32>
    %jit3A_20 = arith.constant 0.000000e+00 : f32
    %broadcast_in_dim3A_21 = vector.broadcast %jit3A_20 : f32 to vector<1x8960xf32>
    %select_n3A_22 = arith.select %lt3A_19, %max3A_17, %broadcast_in_dim3A_21 : vector<1x8960xi1>, vector<1x8960xf32>
    %swap3A = arith.constant 0 : index
    %swap3A_23 = arith.constant 0 : index
    %swap3A_24 = arith.constant 0 : index
    %swap3A_25 = vector.load %arg3[%swap3A, %swap3A_23, %swap3A_24] : memref<1x1x8960xf32, #tpu.memory_space<vmem>>, vector<1x1x8960xf32>
    %swap3A_26 = vector.shape_cast %swap3A_25 : vector<1x1x8960xf32> to vector<1x8960xf32>
    %swap3A_27 = vector.shape_cast %select_n3A_22 : vector<1x8960xf32> to vector<1x1x8960xf32>
    tpu.vector_store %arg3[%swap3A, %swap3A_23, %swap3A_24], %swap3A_27 {strides = array<i32>} : memref<1x1x8960xf32, #tpu.memory_space<vmem>>, vector<1x1x8960xf32>,
    return
  }
  func.func @transform_0(%arg0: i32) -> (i32, i32, i32) {
    %c0_i32 = arith.constant 0 : i32
    %c0_i32_0 = arith.constant 0 : i32
    %c0_i32_1 = arith.constant 0 : i32
    return %arg0, %c0_i32, %c0_i32_0 : i32, i32, i32
  }
  func.func @transform_1(%arg0: i32) -> (i32, i32, i32) {
    %c0_i32 = arith.constant 0 : i32
    %c0_i32_0 = arith.constant 0 : i32
    %c0_i32_1 = arith.constant 0 : i32
    return %arg0, %c0_i32, %c0_i32_0 : i32, i32, i32
  }
  func.func @transform_2(%arg0: i32) -> (i32, i32, i32) {
    %c0_i32 = arith.constant 0 : i32
    %c0_i32_0 = arith.constant 0 : i32
    %c0_i32_1 = arith.constant 0 : i32
    return %arg0, %c0_i32, %c0_i32_0 : i32, i32, i32
  }
}

</mosaic_0001>

<sc_bundles>
// kernel: kernel.4.cloned.1.call-start
scs
__scs_entry_jumppad:
0x0: {  	(pc) =	sbr.rel $0x88, $3  }
0x1: {  	(tag) =	ssettag $0x0;
	lr =	simm.s32 $0x1  }
0x2: {  	[smem:$0x3F9D] =	sst lr;
	_ =	strace $0xD0000000  }
0x3: {  	_ = 	snop  }
0x4: {  	_ = 	snop  }
0x5: {  	_ = 	snop  }
0x6: {  	_ = 	snop  }
0x7: {  	_ = 	snop  }
__scs_overlays_trampoline_lowered:
0x8: {  	[smem:$0x3FAC] =	sst s0  }
0x9: {  	[smem:$0x3FAD] =	sst s1  }
0xa: {  	[smem:$0x3FAE] =	sst s2  }
0xb: {  	[smem:$0x3FAF] =	sst s3  }
0xc: {  	[smem:$0x3FB0] =	sst s4  }
0xd: {  	[smem:$0x3FB1] =	sst s5  }
0xe: {  	[smem:$0x3FB2] =	sst s6  }
0xf: {  	[smem:$0x3FB3] =	sst s7  }
0x10: {  	[smem:$0x3FB4] =	sst s8  }
0x11: {  	[smem:$0x3FB5] =	sst s9;
	s0 =	simm.s32 @!p0 $0x0  }
0x12: {  	s1 =	sld [smem:$0x3F9B];
	s0 =	simm.s32 @p0 $0x1  }
0x13: {  	[smem:$0x3FB6] =	sst s0;
	s0 =	simm.s32 @!p1 $0x0  }
0x14: {  	s2 =	sld [smem:$0x3F9A];
	s0 =	simm.s32 @p1 $0x1  }
0x15: {  	[smem:$0x3FB7] =	sst s0;
	s0 =	simm.s32 @!p2 $0x0  }
0x16: {  	s3 =	sld [smem:$0x3FDB];
	s0 =	simm.s32 @p2 $0x1  }
0x17: {  	s4 =	simm.s32 $0x1BF5;
	[smem:$0x3FB9] =	sst s0  }
0x18: {  	s0 =	sld [smem:$0x3F9C];
	_ =	swait.ge [sflag:s4], $0x0  }
0x19: {  	s7 =	sld [smem:$0x3F9D]  }
0x1a: {  	s8 =	sadd.s32 $0xFFFFE003, lr  }
0x1b: {  	s9 =	sadd.s32 $0xFFFFFEF7, lr;
	s5 =	simm.s32 $0xFFFFFFFF;
	p2 =	slt.u32 s8, $0xFFFFF086  }
0x1c: {  	p1 =	slt.u32 s9, $0xF7A;
	s5 =	simm.s32 @!p2 $0x0  }
0x1d: {  	s5 =	simm.s32 @p1 $0x1;
	p0 =	seq.s32 s7, s2  }
0x1e: {  	s7 =	smul.u32 @!p0 $0xF7A, s2;
	p2 =	seq.s32 @!p0 s5, $0x0  }
0x1f: {  	s9 =	smul.u32 $0xF7A, s1;
	s8 =	simm.s32 @!p0 $0x1BF5;
	p2 =	por !p2, p0  }
0x20: {  	[sflag:s8] =	ssyncset.s32 @!p0 $0xFFFFF086;
	s6 =	sadd.s32 @!p0 s3, s7;
	s7 =	simm.s32 @!p0 $0x108  }
0x21: {  	s3 =	sadd.s32 s3, s9;
	s6 =	sadd.s32 @!p0 $0x88, s6;
	s7 =	simm.s32 @p2 $0x1082  }
0x22: {  	[simem:s7], [sflag:s8] =	dma.local @!p0 [hbm:s6], $0xF7A  }
0x23: {  	s9 =	sor.u32 $0xD0000000, s2;
	s6 =	simm.s32 $0x108;
	_ =	swait.ge @!p0 [sflag:s8], $0x0  }
0x24: {  	s3 =	sadd.s32 $0x88, s3;
	s6 =	simm.s32 @!p1 $0x1082;
	[sflag:s4] =	ssyncset.s32 $0xFFFFF086  }
0x25: {  	[simem:s6], [sflag:s4] =	dma.local [hbm:s3], $0xF7A  }
0x26: {  	[smem:$0x3F9D] =	sst s1;
	(tag) =	ssettag s2;
	_ =	strace s9  }
0x27: {  	s1 =	sld [smem:$0x3FAD]  }
0x28: {  	s2 =	sld [smem:$0x3FAE]  }
0x29: {  	s4 =	sld [smem:$0x3FB0]  }
0x2a: {  	p0 =	seq.s32 s5, $0x0;
	s5 =	sld [smem:$0x3FB1]  }
0x2b: {  	s6 =	sld [smem:$0x3FB2]  }
0x2c: {  	s7 =	sld [smem:$0x3FB3]  }
0x2d: {  	s3 =	simm.s32 $0x108;
	s8 =	sld [smem:$0x3FB4]  }
0x2e: {  	s3 =	simm.s32 @!p0 $0x1082;
	s9 =	sld [smem:$0x3FB5]  }
0x2f: {  	lr =	sadd.s32 s0, s3;
	s0 =	sld [smem:$0x3FAC]  }
0x30: {  	s3 =	sld [smem:$0x3FAF]  }
0x31: {  	[smem:$0x3FB8] =	sst s10  }
0x32: {  	s10 =	sld [smem:$0x3FB6];
	_ =	sdelay $0x3  }
0x33: {  	p0 =	seq.s32 s10, $0x1;
	s10 =	sld [smem:$0x3FB8];
	_ =	sdelay $0x3  }
0x34: {  	[smem:$0x3FB8] =	sst s10  }
0x35: {  	s10 =	sld [smem:$0x3FB7];
	_ =	sdelay $0x3  }
0x36: {  	p1 =	seq.s32 s10, $0x1;
	s10 =	sld [smem:$0x3FB8];
	_ =	sdelay $0x3  }
0x37: {  	[smem:$0x3FB8] =	sst s10  }
0x38: {  	s10 =	sld [smem:$0x3FB9]  }
0x39: {  	_ = 	snop;
	(pc) =	sbr.ind lr, $3  }
0x3a: {  	_ = 	snop  }
0x3b: {  	_ = 	snop  }
0x3c: {  	p2 =	seq.s32 s10, $0x1;
	s10 =	sld [smem:$0x3FB8]  }
0x3d: {  	_ =	shalt  }
0x3e: {  	_ =	shalt  }
0x3f: {  	_ =	shalt  }
0x40: {  	_ =	shalt  }
0x41: {  	_ =	shalt  }
0x42: {  	_ =	shalt  }
0x43: {  	_ =	shalt  }
0x44: {  	_ =	shalt  }
0x45: {  	_ =	shalt  }
0x46: {  	_ =	shalt  }
0x47: {  	_ =	shalt  }
0x48: {  	_ =	shalt  }
0x49: {  	_ =	shalt  }
0x4a: {  	_ =	shalt  }
0x4b: {  	_ =	shalt  }
0x4c: {  	_ =	shalt  }
0x4d: {  	_ =	shalt  }
0x4e: {  	_ =	shalt  }
0x4f: {  	_ =	shalt  }
0x50: {  	_ =	shalt  }
0x51: {  	_ =	shalt  }
0x52: {  	_ =	shalt  }
0x53: {  	_ =	shalt  }
0x54: {  	_ =	shalt  }
0x55: {  	_ =	shalt  }
0x56: {  	_ =	shalt  }
0x57: {  	_ =	shalt  }
0x58: {  	_ =	shalt  }
0x59: {  	_ =	shalt  }
0x5a: {  	_ =	shalt  }
0x5b: {  	_ =	shalt  }
0x5c: {  	_ =	shalt  }
0x5d: {  	_ =	shalt  }
0x5e: {  	_ =	shalt  }
0x5f: {  	_ =	shalt  }
0x60: {  	_ =	shalt  }
0x61: {  	_ =	shalt  }
0x62: {  	_ =	shalt  }
0x63: {  	_ =	shalt  }
0x64: {  	_ =	shalt  }
0x65: {  	_ =	shalt  }
0x66: {  	_ =	shalt  }
0x67: {  	_ =	shalt  }
0x68: {  	_ =	shalt  }
0x69: {  	_ =	shalt  }
0x6a: {  	_ =	shalt  }
0x6b: {  	_ =	shalt  }
0x6c: {  	_ =	shalt  }
0x6d: {  	_ =	shalt  }
0x6e: {  	_ =	shalt  }
0x6f: {  	_ =	shalt  }
0x70: {  	_ =	shalt  }
0x71: {  	_ =	shalt  }
0x72: {  	_ =	shalt  }
0x73: {  	_ =	shalt  }
0x74: {  	_ =	shalt  }
0x75: {  	_ =	shalt  }
0x76: {  	_ =	shalt  }
0x77: {  	_ =	shalt  }
0x78: {  	_ =	shalt  }
0x79: {  	_ =	shalt  }
0x7a: {  	_ =	shalt  }
0x7b: {  	_ =	shalt  }
0x7c: {  	_ =	shalt  }
0x7d: {  	_ =	shalt  }
0x7e: {  	_ =	shalt  }
0x7f: {  	_ =	shalt  }
0x80: {  	_ =	shalt  }
0x81: {  	_ =	shalt  }
0x82: {  	_ =	shalt  }
0x83: {  	_ =	shalt  }
0x84: {  	_ =	shalt  }
0x85: {  	_ =	shalt  }
0x86: {  	_ =	shalt  }
0x87: {  	_ =	shalt  }
.Lfunc_end0:
.L_simem_size_0:
called_computation_lowered:
.L_overlay_start_0:
0x88: {  	s2 =	sld [smem:$0x3FD9]  }
0x89: {  	s3 =	sld [smem:$0x3FFE];
	_ =	sdelay $0x1  }
0x8a: {  	s1 =	srdreg.scid  }
0x8b: {  	s0 =	sand.u32 $0x1, s1  }
0x8c: {  	s16 =	sshll.u32 s0, $0xA;
	s2 =	sadd.s32 s3, s2  }
0x8d: {  	s2 =	sadd.s32 s2, s16  }
0x8e: {  	[smem:$0x3FC4] =	sst s2  }
0x8f: {  	_ = 	snop  }
0x90: {  	(tm) =	ssettm $0x1  }
0x91: {  	s17 =	sld [smem:$0x3FFB];
	_ =	sdelay $0x3  }
0x92: {  	_ =	strace s17  }
0x93: {  	s2 =	sld [smem:$0x3FFC];
	_ =	sdelay $0x3  }
0x94: {  	_ =	strace s2  }
0x95: {  	s2 =	sld [smem:$0x3FFD];
	_ =	sdelay $0x3  }
0x96: {  	_ =	strace s2  }
0x97: {  	_ =	strace $0x8FFFFFFF  }
0x98: {  	s18 =	sld [smem:$0x3FDB];
	_ =	sdelay $0x1  }
0x99: {  	s19 =	simm.s32 $_scs_section_size  }
0x9a: {  	s4 =	simm.s32 $_size__tile_overlayer_lowered;
	s5 =	simm.s32 $_tile_overlayer_lowered  }
0x9b: {  	s22 =	simm.s32 $0x1BFF;
	s21 =	sshll.u32 s5, $0x1;
	s2 =	sadd.s32 s19, s18  }
0x9c: {  	s6 =	simm.s32 $0x0;
	s20 =	sshll.u32 s4, $0x1;
	s4 =	sadd.s32 s21, s2  }
0x9d: {  	[timem:s6], [sflag:s22] =	dma.local [hbm:s4], s20  }
0x9e: {  	_ =	swait.ge [sflag:s22], s20  }
0x9f: {  	s3 =	ssub.s32 $0x0, s20;
	[sflag:s22] =	ssyncset.done $0x0  }
0xa0: {  	[sflag:s22] =	ssyncadd.s32 s3;
	_ =	sdelay $0x1  }
0xa1: {  	s23 =	simm.s32 $0x1B8B  }
0xa2: {  	_ =	swait.ge [sflag:s23], $0x1  }
0xa3: {  	[sflag:s23] =	ssyncset.done $0x0  }
0xa4: {  	s25 =	simm.s32 $0x1B8E;
	s24 =	sld [smem:$0x3FFE];
	[sflag:s23] =	ssyncadd.s32 $0xFFFFFFFF  }
0xa5: {  	s26 =	simm.s32 $execute0_lowered;
	[smem:$0x3FD2] =	sst s25  }
0xa6: {  	s4 =	sshll.u32 s26, $0x1;
	_ =	strace $0x80000046;
	[dreg:$0x1] =	wrdreg $0xFFFFFFFF  }
0xa7: {  	s28 =	simm.s32 $_size_execute0_lowered;
	s2 =	sadd.s32 s2, s4;
	[dreg:$0x0] =	wrdreg $0x0  }
0xa8: {  	s4 =	sshll.u32 s28, $0x1;
	[dreg:$0x2] =	wrdreg s2  }
0xa9: {  	[dreg:$0x3] =	wrdreg s4  }
0xaa: {  	[dreg:$0x4] =	wrdreg $0xC0  }
0xab: {  	_ =	task [dreg:s6], $0x5FFFF  }
0xac: {  	[dreg:$0x1] =	wrdreg $0xFFFFFFFF  }
0xad: {  	[dreg:$0x0] =	wrdreg $0x60  }
0xae: {  	[dreg:$0x2] =	wrdreg s24  }
0xaf: {  	[dreg:$0x3] =	wrdreg $0x9  }
0xb0: {  	_ =	task.clear_ibuf [dreg:s6], $0x4FFFF;
	_ =	strace $0x90000046  }
0xb1: {  	s29 =	simm.s32 $0x9;
	_ =	strace $0x80000048  }
0xb2: {  	_ =	swait.ge [sflag:s29], $0x1  }
0xb3: {  	[sflag:s29] =	ssyncadd.s32 $0xFFFFFFFF  }
0xb4: {  	_ =	strace $0x90000048  }
0xb5: {  	_ =	sfence  }
0xb6: {  	s30 =	sld [smem:$0x0];
	_ =	sdelay $0x2  }
0xb7: {  	s31 =	sshll.u32 s1, $0xD;
	s1 =	sshrl.u32 s1, $0x2  }
0xb8: {  	s3 =	sand.u32 $0x4000, s31;
	s1 =	sadd.s32 s1, s30  }
0xb9: {  	s0 =	sor.u32 s3, s0;
	s1 =	sshll.u32 s1, $0x11  }
0xba: {  	s0 =	sor.u32 s1, s0  }
0xbb: {  	s0 =	sadd.s32 $0x8F2B, s0  }
0xbc: {  	[sflag:s0] =	ssyncadd.remote.s32 $0x1  }
0xbd: {  	_ =	sfence.sel $0xFFFF  }
0xbe: {  	[dreg:$0x0] =	wrdreg $0xFFFFFFFF;
	(pc) =	sbr.abs _section_cstart, $3  }
0xbf: {  	[dreg:$0x1] =	wrdreg $0xFFFFFFFF  }
0xc0: {  	_ =	task.clear_ibuf [dreg:s6], $0x2FFFF;
	_ =	strace $0x9FFFFFFF  }
0xc1: {  	(tm) =	ssettm $0x7FFFFFFF  }
tec
execute0_lowered:
.L_overlay_start_1:
0x0: {  	(tag) =	ssettag $0x1  }
0x1: {  	s0 =	srdreg.scid  }
0x2: {  	s2 =	stileid.u32;
	s5 =	rddreg [dreg:$0x0];
	s6 =	simm.s32 $0x0  }
0x3: {  	s0 =	sand.u32 $0x1, s0;
	s1 =	sshrl.u32 s2, $0x2;
	s2 =	sshll.u32 s2, $0x8  }
0x4: {  	[smem:$0x7FF] =	sst s6;
	s3 =	sshll.u32 s0, $0x7;
	s4 =	smul.u32 $0x11800, s1  }
0x5: {  	s2 =	sand.u32 $0x300, s2;
	s26 =	smul.u32 $0x44400, s1;
	_ =	strace $0x80000047  }
0x6: {  	s1 =	sshll.u32 s1, $0xA;
	s0 =	ssub.s32 $0x2, s0;
	s2 =	sor.u32 s3, s2  }
0x7: {  	s29 =	sshrl.u32 s0, $0x1;
	s3 =	sor.u32 s4, s2;
	s4 =	sor.u32 s26, s2  }
0x8: {  	s1 =	sor.u32 s1, s2;
	s0 =	ssub.s32 s0, s29;
	s3 =	sshrl.u32 s3, $0x3  }
0x9: {  	s28 =	sshrl.u32 s4, $0x3;
	s0 =	smax.u32 s0, $0x1;
	s3 =	sadd.s32 s3, s5  }
0xa: {  	s2 =	sadd.s32 s28, s5;
	[dreg:$0x7] =	wrdreg s0;
	s30 =	sadd.s32 $0x9400, s3  }
.Ltmp0:
0xb: {  	s3 =	sadd.s32 $0x800, s3;
	[dreg:$0x2] =	wrdreg s30;
	(pc) =	sbr.rel .LBB2_1-.Ltmp0, $4  }
0xc: {  	s1 =	sshrl.u32 s1, $0x3;
	s31 =	sadd.s32 $0x12000, s2;
	[dreg:$0x3] =	wrdreg s3  }
0xd: {  	vm0 =	vcmask $0x2F20;
	s1 =	sadd.s32 s1, s5;
	s2 =	sadd.s32 $0x34200, s2;
	[dreg:$0x4] =	wrdreg s31  }
0xe: {  	s11 =	simm.s32 $0x1;
	vm1 =	vcmask $0x3F20;
	vm2 =	vcmask $0x3F10;
	v0 =	vimm.f32 $0.0e+00;
	s1 =	sadd.s32 $0x56400, s1;
	[dreg:$0x5] =	wrdreg s2  }
0xf: {  	s15 =	simm.s32 $0x40000000;
	vm3 =	vcmask $0x300;
	vm4 =	vcmask $0x704;
	vm5 =	vcmask $0xB08;
	s17 =	simm.s32 $0x0;
	[dreg:$0x6] =	wrdreg s1  }
.LBB2_6:
0x10: {  	s23 =	sadd.f32 s28, s26;
	_ =	sdelay $0x1  }
0x11: {  	s23 =	sadd.f32 s23, s29;
	_ =	sdelay $0x1  }
0x12: {  	s23 =	sadd.f32 s23, s30;
	_ =	sdelay $0x1  }
0x13: {  	s23 =	sadd.f32 s23, s31;
	_ =	sdelay $0x1  }
0x14: {  	s0 =	sadd.f32 s23, s0;
	_ =	sdelay $0x1  }
0x15: {  	s0 =	sadd.f32 s0, s1;
	_ =	sdelay $0x1  }
0x16: {  	s0 =	sadd.f32 s0, s12;
	_ =	sdelay $0x1  }
0x17: {  	s0 =	sadd.f32 s0, s2;
	_ =	sdelay $0x1  }
0x18: {  	s0 =	sadd.f32 s0, s3;
	_ =	sdelay $0x1  }
0x19: {  	s0 =	sadd.f32 s0, s4;
	_ =	sdelay $0x1  }
0x1a: {  	s0 =	sadd.f32 s0, s5;
	_ =	sdelay $0x1  }
0x1b: {  	s0 =	sadd.f32 s0, s6;
	_ =	sdelay $0x1  }
0x1c: {  	s0 =	sadd.f32 s0, s7;
	_ =	sdelay $0x1  }
0x1d: {  	s0 =	sadd.f32 s0, s8;
	_ =	sdelay $0x1  }
0x1e: {  	s0 =	sadd.f32 s0, s9  }
.LBB2_13:
0x1f: {  	s1 =	rddreg [dreg:$0x8]  }
0x20: {  	s2 =	rddreg [dreg:$0x9]  }
0x21: {  	s31 =	rddreg [dreg:$0xa]  }
0x22: {  	s3 =	rddreg [dreg:$0xb]  }
0x23: {  	s4 =	sadd.f32 s22, s10  }
0x24: {  	s5 =	rddreg [dreg:$0xd]  }
0x25: {  	s6 =	rddreg [dreg:$0xe]  }
0x26: {  	s7 =	rddreg [dreg:$0xf]  }
0x27: {  	s8 =	rddreg [dreg:$0x10]  }
0x28: {  	s9 =	rddreg [dreg:$0x11]  }
0x29: {  	s10 =	rddreg [dreg:$0x12]  }
0x2a: {  	s12 =	rddreg [dreg:$0x1e]  }
0x2b: {  	s22 =	rddreg [dreg:$0x16]  }
0x2c: {  	s23 =	rddreg [dreg:$0x1a]  }
0x2d: {  	s24 =	rddreg [dreg:$0x17]  }
0x2e: {  	s25 =	rddreg [dreg:$0x1b]  }
0x2f: {  	s26 =	rddreg [dreg:$0x19]  }
0x30: {  	s1 =	sadd.f32 s2, s1  }
0x31: {  	s2 =	sadd.f32 s4, s20  }
0x32: {  	s20 =	rddreg [dreg:$0x15]  }
0x33: {  	s1 =	sadd.f32 s1, s31  }
0x34: {  	s2 =	sadd.f32 s2, s21  }
0x35: {  	s21 =	rddreg [dreg:$0x1d]  }
0x36: {  	s1 =	sadd.f32 s1, s3  }
0x37: {  	s3 =	rddreg [dreg:$0xc]  }
0x38: {  	s2 =	sadd.f32 s2, s18  }
0x39: {  	s18 =	rddreg [dreg:$0x14]  }
0x3a: {  	s1 =	sadd.f32 s1, s3  }
0x3b: {  	s2 =	sadd.f32 s2, s19  }
0x3c: {  	s1 =	sadd.f32 s1, s5  }
0x3d: {  	s19 =	rddreg [dreg:$0x1c]  }
0x3e: {  	s1 =	sadd.f32 s1, s6  }
0x3f: {  	s2 =	sadd.f32 s2, s14  }
0x40: {  	s1 =	sadd.f32 s1, s7  }
0x41: {  	s14 =	rddreg [dreg:$0x13]  }
0x42: {  	s1 =	sadd.f32 s1, s8  }
0x43: {  	s2 =	sadd.f32 s2, s16  }
0x44: {  	s1 =	sadd.f32 s1, s9  }
0x45: {  	s16 =	rddreg [dreg:$0x1f]  }
0x46: {  	s1 =	sadd.f32 s1, s10  }
0x47: {  	s2 =	sadd.f32 s2, s12  }
0x48: {  	s1 =	sadd.f32 s1, s14  }
0x49: {  	s2 =	sadd.f32 s2, s16  }
0x4a: {  	s1 =	sadd.f32 s1, s18  }
0x4b: {  	s2 =	sadd.f32 s2, s19  }
0x4c: {  	s1 =	sadd.f32 s1, s20  }
0x4d: {  	s2 =	sadd.f32 s2, s21  }
0x4e: {  	s1 =	sadd.f32 s1, s22  }
0x4f: {  	s2 =	sadd.f32 s2, s23  }
0x50: {  	s1 =	sadd.f32 s1, s24  }
0x51: {  	s2 =	sadd.f32 s2, s25  }
0x52: {  	s0 =	sadd.f32 s0, s1  }
0x53: {  	s1 =	sadd.f32 s2, s26  }
0x54: {  	s28 =	rddreg [dreg:$0x18];
	v1 =	vmov s0  }
0x55: {  	s0 =	sadd.f32 s1, s28;
	v1 =	vnsel vm3, $0x0, v1  }
0x56: {  	v1 =	vsel vm4, s13, v1  }
0x57: {  	v1 =	vsel vm5, s0, v1  }
0x58: {  	s29 =	rddreg [dreg:$0x6];
	s30 =	simm.s32 $0x15700;
	s6 =	simm.s32 $0x0;
	[tilespmem:$0x15700] =	vst v1  }
0x59: {  	[hbm4b:s29+s6] =	stream.linear.scatter [tilespmem:s30], [sflag:$0x1], $0x80, $0x38;
	[tilespmem:$0x15780] =	vst v63  }
0x5a: {  	_ =	swait.ge [sflag:s11], $0x80  }
0x5b: {  	s17 =	sadd.s32 $0x1, s17;
	s31 =	rddreg [dreg:$0x7]  }
0x5c: {  	p0 =	sne.s32 s17, s31  }
.Ltmp1:
0x5d: {  	_ = 	snop;
	(pc) =	sbr.rel @!p0 .LBB2_14-.Ltmp1, $3  }
0x5e: {  	_ =	sdelay $0x1  }
0x5f: {  	[sflag:s11] =	ssyncset.done $0x0  }
0x60: {  	[sflag:s11] =	ssyncadd.s32 $0xFFFFFF80  }
.LBB2_1:
0x61: {  	s0 =	rddreg [dreg:$0x2];
	s1 =	simm.s32 $0x80;
	s2 =	simm.s32 $0x400  }
0x62: {  	[tilespmem:s6], [sflag:$0x1] =	stream.strided.gather [hbm4b:s0+s1], $0x2300, s2, s1, $0x38;
	[tilespmem:$0x15780] =	vst v63  }
0x63: {  	_ =	swait.ge [sflag:s11], $0x2300  }
0x64: {  	[sflag:s11] =	ssyncset.done $0x0  }
0x65: {  	s3 =	simm.s32 $0x2300;
	s25 =	rddreg [dreg:$0x3];
	[sflag:s11] =	ssyncadd.s32 $0xFFFFDD00  }
0x66: {  	[tilespmem:s3], [sflag:$0x1] =	stream.strided.gather [hbm4b:s25+s1], $0x2300, s2, s1, $0x38;
	[tilespmem:$0x15780] =	vst v63  }
0x67: {  	_ =	swait.ge [sflag:s11], $0x2300  }
0x68: {  	[sflag:s11] =	ssyncset.done $0x0  }
0x69: {  	s28 =	simm.s32 $0x4600;
	s26 =	rddreg [dreg:$0x4];
	[sflag:s11] =	ssyncadd.s32 $0xFFFFDD00  }
0x6a: {  	[tilespmem:s28], [sflag:$0x1] =	stream.strided.gather [hbm4b:s26+s1], $0x8880, s2, s1, $0x38;
	[tilespmem:$0x15780] =	vst v63  }
0x6b: {  	_ =	swait.ge [sflag:s11], $0x8880  }
0x6c: {  	[sflag:s11] =	ssyncset.done $0x0  }
0x6d: {  	s30 =	simm.s32 $0xCE80;
	s29 =	rddreg [dreg:$0x5];
	[sflag:s11] =	ssyncadd.s32 $0xFFFF7780  }
0x6e: {  	[tilespmem:s30], [sflag:$0x1] =	stream.strided.gather [hbm4b:s29+s1], $0x8880, s2, s1, $0x38;
	[tilespmem:$0x15780] =	vst v63  }
0x6f: {  	_ =	swait.ge [sflag:s11], $0x8880  }
0x70: {  	[sflag:s11] =	ssyncset.done $0x0  }
0x71: {  	s31 =	simm.s32 $0x0;
	[sflag:s11] =	ssyncadd.s32 $0xFFFF7780  }
0x72: {  	v5 =	vld [tilespmem:s31+$0x2300]  }
0x73: {  	v1 =	vimm.f32 $0.0e+00;
	v2 =	vimm.f32 $0.0e+00;
	v3 =	vimm.f32 $0.0e+00;
	s0 =	simm.s32 $0x40;
	v4 =	vld [tilespmem:s31+$0x0]  }
.LBB2_2:
0x74: {  	p0 =	sne.s32 s0, $0x8BC0  }
.Ltmp2:
0x75: {  	_ = 	snop;
	(pc) =	sbr.rel @p0 .LBB2_2-.Ltmp2, $4  }
0x76: {  	_ = 	snop  }
0x77: {  	s1 =	sshra.s32 s0, $0x2;
	s0 =	sadd.s32 $0x40, s0;
	v6 =	vimm.f32 $0.0e+00;
	vm6 =	vgt.s32 v5, $0x0  }
0x78: {  	v5 =	vld [tilespmem:s1+$0x2300];
	v7 =	vsel vm6, $0x3F800000, v6;
	v8 =	vnsel vm6, $0x0, v4;
	v1 =	vadd.f32 v4, v1  }
0x79: {  	v4 =	vld [tilespmem:s1+$0x0];
	v2 =	vadd.f32 v7, v2;
	v3 =	vadd.f32 v8, v3  }
0x7a: {  	s0 =	simm.s32 $0x2300  }
0x7b: {  	v7 =	vld [tilespmem:s0+$0x0];
	_ =	sdelay $0x4  }
0x7c: {  	(v2sf) =	vpush v7, $0xA  }
0x7d: {  	(v2sf) =	vpush v7, $0xB  }
0x7e: {  	(v2sf) =	vpush v7, $0x0  }
0x7f: {  	(v2sf) =	vpush v7, $0x5  }
0x80: {  	s20 =	simm.s32 $0x0;
	(v2sf) =	vpush v7, $0x6  }
0x81: {  	v8 =	vld [tilespmem:s20+$0xCEB0]  }
0x82: {  	v9 =	vld [tilespmem:s20+$0x4600];
	(v2sf) =	vpush v7, $0x7  }
0x83: {  	v10 =	vld [tilespmem:s20+$0xCE80];
	(v2sf) =	vpush v7, $0x1  }
0x84: {  	v11 =	vld [tilespmem:s20+$0x4630];
	(v2sf) =	vpush v7, $0x9  }
0x85: {  	v12 =	vld [tilespmem:s20+$0xCE90];
	(v2sf) =	vpush v7, $0x4  }
0x86: {  	v13 =	vld [tilespmem:s20+$0x4610];
	(v2sf) =	vpush v7, $0x3  }
0x87: {  	v15 =	vld [tilespmem:s20+$0xCEA0];
	(v2sf) =	vpush v7, $0x8  }
0x88: {  	vm6 =	vgt.s32 v5, $0x0;
	v5 =	vld [tilespmem:s20+$0x4620];
	(v2sf) =	vpush v7, $0x2  }
0x89: {  	(v2sf) =	vpush v7, $0xF  }
0x8a: {  	v14 =	vnsel vm6, $0x0, v4;
	v1 =	vadd.f32 v4, v1;
	v9 =	vsub.f32 v9, v10  }
0x8b: {  	v10 =	vsel vm6, $0x3F800000, v6;
	v8 =	vsub.f32 v11, v8;
	(v2sf) =	vpush v7, $0xD;
	s1 =	spop (v2sf)  }
0x8c: {  	v4 =	vadd.f32 v10, v2;
	v2 =	vadd.f32 v14, v3;
	v3 =	vmul.f32 $5.000000000e-01, v9;
	s2 =	spop (v2sf)  }
0x8d: {  	s21 =	simm.s32 $0x40;
	v10 =	vsub.f32 v13, v12;
	v11 =	vand.u32 $0x7FFFFFFF, v9;
	v5 =	vsub.f32 v5, v15;
	s3 =	spop (v2sf)  }
0x8e: {  	s4 =	simm.s32 $0x2310;
	v17 =	vld [tilespmem:s21+$0xCEA0];
	v12 =	vadd.f32 $-5.000000000e-01, v11;
	v3 =	vmul.f32 v3, v9;
	(v2sf) =	vpush v7, $0xC;
	s5 =	spop (v2sf)  }
0x8f: {  	s9 =	simm.f32 $1.000000000e+00;
	vm6 =	vlt.f32 v11, $1.000000000e+00;
	v9 =	vld [tilespmem:s4+$0x0];
	s6 =	spop (v2sf);
	(v2sf) =	vpush v7, $0xE;
	v7 =	vmul.f32 $5.000000000e-01, v10  }
0x90: {  	v13 =	vld [tilespmem:s21+$0xCEB0];
	v11 =	vand.u32 $0x7FFFFFFF, v10;
	s4 =	simm.f32 $1.000000000e+00;
	v12 =	vsel vm6, v3, v12;
	p5 =	sgt.s32 s2, $0x0;
	s2 =	simm.f32 $1.000000000e+00  }
0x91: {  	v15 =	vld [tilespmem:s21+$0x4630];
	v3 =	vadd.f32 $-5.000000000e-01, v11;
	p0 =	sgt.s32 s3, $0x0;
	p3 =	sgt.s32 s5, $0x0;
	s22 =	spop (v2sf);
	v7 =	vmul.f32 v7, v10;
	v10 =	vmul.f32 $5.000000000e-01, v5  }
0x92: {  	v14 =	vld [tilespmem:s21+$0x4620];
	v16 =	vand.u32 $0x7FFFFFFF, v8;
	vm6 =	vlt.f32 v11, $1.000000000e+00;
	v11 =	vmul.f32 $5.000000000e-01, v8;
	s5 =	simm.f32 $1.000000000e+00;
	p1 =	sgt.s32 s6, $0x0;
	s23 =	spop (v2sf)  }
0x93: {  	s6 =	simm.f32 $1.000000000e+00;
	p2 =	sgt.s32 s22, $0x0;
	s24 =	spop (v2sf);
	v18 =	vsel vm6, v7, v3;
	v3 =	vand.u32 $0x7FFFFFFF, v5;
	v7 =	vmul.f32 v10, v5;
	v10 =	vld [tilespmem:s21+$0x4600]  }
0x94: {  	p4 =	sgt.s32 s23, $0x0;
	s4 =	simm.s32 @!p2 $0x0;
	s25 =	spop (v2sf);
	(v2sf) =	vpush v9, $0xA;
	v5 =	vmul.f32 v11, v8;
	v8 =	vld [tilespmem:s21+$0xCE80];
	v11 =	vadd.f32 $-5.000000000e-01, v16  }
0x95: {  	vm7 =	vlt.f32 v16, $1.000000000e+00;
	s5 =	simm.s32 @!p4 $0x0;
	p4 =	sgt.s32 s1, $0x0;
	s26 =	spop (v2sf);
	(v2sf) =	vpush v9, $0xB;
	v19 =	vadd.f32 $-5.000000000e-01, v3  }
0x96: {  	s1 =	simm.f32 $1.000000000e+00;
	vm6 =	vlt.f32 v3, $1.000000000e+00;
	v3 =	vsub.f32 v15, v13;
	p6 =	sgt.s32 s26, $0x0;
	s28 =	spop (v2sf);
	(v2sf) =	vpush v9, $0x0  }
0x97: {  	s1 =	simm.s32 @!p3 $0x0;
	v15 =	vsel vm7, v5, v11;
	v5 =	vsub.f32 v14, v17;
	s7 =	spop (v2sf);
	s6 =	simm.s32 @!p6 $0x0;
	(v2sf) =	vpush v9, $0x5  }
0x98: {  	v11 =	vmov s4;
	v14 =	vsel vm6, v7, v19;
	p3 =	sgt.s32 s7, $0x0;
	s7 =	simm.f32 $1.000000000e+00;
	s8 =	spop (v2sf);
	(v2sf) =	vpush v9, $0x6  }
0x99: {  	s3 =	simm.f32 $1.000000000e+00;
	s7 =	simm.s32 @!p5 $0x0;
	s9 =	simm.s32 @!p3 $0x0;
	(v2sf) =	vpush v9, $0x7;
	v8 =	vsub.f32 v10, v8;
	v10 =	vmov s6  }
0x9a: {  	s2 =	simm.s32 @!p1 $0x0;
	s29 =	spop (v2sf);
	v7 =	vmov s7;
	s7 =	simm.f32 $1.000000000e+00;
	(v2sf) =	vpush v9, $0x1;
	v10 =	vsel vm0, s9, v10  }
0x9b: {  	s3 =	simm.s32 @!p0 $0x0;
	p2 =	sgt.s32 s24, $0x0;
	v11 =	vsel vm0, s2, v11;
	s7 =	simm.s32 @!p4 $0x0;
	(v2sf) =	vpush v9, $0x9;
	v10 =	vnsel vm1, s5, v10  }
0x9c: {  	s2 =	simm.f32 $1.000000000e+00;
	p5 =	sgt.s32 s8, $0x0;
	s8 =	simm.f32 $1.000000000e+00;
	v13 =	vsel vm0, s7, v7;
	v7 =	vmul.f32 $5.000000000e-01, v8;
	v10 =	vnsel vm2, s3, v10  }
0x9d: {  	p3 =	sgt.s32 s28, $0x0;
	s8 =	simm.s32 @!p5 $0x0;
	s30 =	spop (v2sf);
	(v2sf) =	vpush v9, $0x4;
	v10 =	vmul.f32 v10, v12  }
0x9e: {  	v61 =	vld [tilespmem:s21+$0xCE90];
	p4 =	sgt.s32 s25, $0x0;
	s5 =	simm.f32 $1.000000000e+00;
	v60 =	vmov s8;
	s3 =	simm.f32 $1.000000000e+00;
	(v2sf) =	vpush v9, $0x3;
	v7 =	vmul.f32 v7, v8  }
0x9f: {  	s5 =	simm.s32 @!p4 $0x0;
	s3 =	simm.s32 @!p2 $0x0;
	v12 =	vld [tilespmem:s21+$0x4610];
	s31 =	spop (v2sf);
	(v2sf) =	vpush v9, $0x8;
	v6 =	vadd.f32 v10, v6;
	v10 =	vnsel vm1, s1, v11  }
0xa0: {  	s0 =	simm.f32 $1.000000000e+00;
	s2 =	simm.s32 @!p3 $0x0;
	v13 =	vnsel vm1, s3, v13;
	p2 =	sgt.s32 s31, $0x0;
	(v2sf) =	vpush v9, $0x2;
	v10 =	vnsel vm2, s5, v10  }
0xa1: {  	p0 =	sgt.s32 s29, $0x0;
	s1 =	simm.f32 $1.000000000e+00;
	v63 =	vnsel vm2, s2, v13;
	(v2sf) =	vpush v9, $0xF;
	s0 =	simm.s32 @!p2 $0x0;
	v62 =	vmul.f32 v10, v18  }
0xa2: {  	p1 =	sgt.s32 s30, $0x0;
	s3 =	simm.f32 $1.000000000e+00;
	v13 =	vand.u32 $0x7FFFFFFF, v8;
	s1 =	simm.s32 @!p0 $0x0;
	(v2sf) =	vpush v9, $0xD;
	v11 =	vsel vm0, s0, v60  }
0xa3: {  	s3 =	simm.s32 @!p1 $0x0;
	v10 =	vnsel vm1, s1, v11;
	s1 =	spop (v2sf);
	(v2sf) =	vpush v9, $0xC;
	v11 =	vadd.f32 v6, v62  }
0xa4: {  	v8 =	vnsel vm2, s3, v10;
	v10 =	vsub.f32 v12, v61;
	s5 =	spop (v2sf);
	v12 =	vadd.f32 $-5.000000000e-01, v13  }
0xa5: {  	s6 =	simm.s32 $0x200;
	s0 =	simm.s32 $0x2320;
	(v2sf) =	vpush v9, $0xE;
	v9 =	vmul.f32 v14, v63;
	v8 =	vmul.f32 v15, v8;
	s4 =	spop (v2sf)  }
.LBB2_4:
0xa6: {  	v6 =	vld [tilespmem:s0+$0x0];
	s3 =	sshra.s32 s6, $0x2;
	s2 =	smov.u32 s6;
	p0 =	sne.s32 s6, $0x22000  }
0xa7: {  	p1 =	sgt.s32 s4, $0x0;
	s4 =	simm.f32 $1.000000000e+00;
	p6 =	sgt.s32 s5, $0x0;
	v15 =	vld [tilespmem:s3+$0xCEB0]  }
0xa8: {  	s8 =	simm.f32 $1.000000000e+00;
	s2 =	sadd.s32 $0x100, s6;
	s6 =	simm.s32 @!p0 $0x0;
	v9 =	vadd.f32 v9, v11;
	v11 =	vld [tilespmem:s3+$0x4620]  }
0xa9: {  	vm6 =	vlt.f32 v13, $1.000000000e+00;
	s9 =	simm.f32 $1.000000000e+00;
	v14 =	vmul.f32 $5.000000000e-01, v10;
	v17 =	vld [tilespmem:s3+$0x4630];
	s7 =	spop (v2sf);
	s6 =	simm.s32 @p0 $0x1  }
0xaa: {  	v16 =	vand.u32 $0x7FFFFFFF, v3;
	s5 =	simm.f32 $1.000000000e+00;
	v13 =	vand.u32 $0x7FFFFFFF, v10;
	v12 =	vsel vm6, v7, v12;
	v18 =	vld [tilespmem:s3+$0x4600];
	[smem:$0x7FD] =	sst s6;
	s18 =	spop (v2sf)  }
0xab: {  	v62 =	vld [tilespmem:s3+$0xCE90];
	v7 =	vadd.f32 $-5.000000000e-01, v13;
	vm6 =	vlt.f32 v13, $1.000000000e+00;
	v10 =	vmul.f32 v14, v10;
	p4 =	sgt.s32 s7, $0x0;
	s6 =	simm.f32 $1.000000000e+00;
	s7 =	simm.f32 $1.000000000e+00  }
0xac: {  	v13 =	vmul.f32 $5.000000000e-01, v3;
	v14 =	vmul.f32 $5.000000000e-01, v5;
	v8 =	vadd.f32 v8, v9;
	v9 =	vld [tilespmem:s3+$0xCEA0];
	p3 =	sgt.s32 s18, $0x0;
	s19 =	spop (v2sf);
	s31 =	sld [smem:$0x7FD]  }
0xad: {  	v19 =	vadd.f32 $-5.000000000e-01, v16;
	v63 =	vld [tilespmem:s3+$0x4610];
	p2 =	sgt.s32 s19, $0x0;
	s20 =	spop (v2sf);
	v10 =	vsel vm6, v10, v7;
	s5 =	simm.s32 @!p3 $0x0  }
0xae: {  	v7 =	vand.u32 $0x7FFFFFFF, v5;
	v14 =	vmul.f32 v14, v5;
	v5 =	vmul.f32 v13, v3;
	v13 =	vld [tilespmem:s3+$0xCE80];
	s3 =	simm.f32 $1.000000000e+00;
	p5 =	sgt.s32 s20, $0x0;
	s21 =	spop (v2sf)  }
0xaf: {  	s4 =	simm.s32 @!p2 $0x0;
	(v2sf) =	vpush v6, $0xA;
	vm6 =	vlt.f32 v7, $1.000000000e+00;
	v7 =	vadd.f32 $-5.000000000e-01, v7;
	p2 =	sgt.s32 s21, $0x0;
	s22 =	spop (v2sf)  }
0xb0: {  	vm7 =	vlt.f32 v16, $1.000000000e+00;
	v3 =	vsub.f32 v17, v15;
	(v2sf) =	vpush v6, $0xB;
	s6 =	simm.s32 @!p5 $0x0;
	p5 =	sgt.s32 s1, $0x0;
	s1 =	simm.f32 $1.000000000e+00  }
0xb1: {  	v15 =	vsel vm7, v5, v19;
	s23 =	spop (v2sf);
	s1 =	simm.s32 @!p4 $0x0;
	v5 =	vsub.f32 v11, v9;
	v9 =	vmov s4;
	s4 =	simm.f32 $1.000000000e+00  }
0xb2: {  	(v2sf) =	vpush v6, $0x0;
	s7 =	simm.s32 @!p5 $0x0;
	p0 =	sgt.s32 s23, $0x0;
	s24 =	spop (v2sf)  }
0xb3: {  	v14 =	vsel vm6, v14, v7;
	s4 =	simm.s32 @!p6 $0x0;
	v9 =	vsel vm0, s5, v9;
	s8 =	simm.s32 @!p0 $0x0;
	p4 =	sgt.s32 s24, $0x0  }
0xb4: {  	(v2sf) =	vpush v6, $0x5;
	s25 =	spop (v2sf);
	v7 =	vmov s4;
	s4 =	simm.f32 $1.000000000e+00;
	v9 =	vnsel vm1, s1, v9;
	s1 =	simm.f32 $1.000000000e+00  }
0xb5: {  	(v2sf) =	vpush v6, $0x6;
	v11 =	vsub.f32 v18, v13;
	p0 =	sgt.s32 s25, $0x0;
	s26 =	spop (v2sf);
	v13 =	vmov s8;
	s8 =	simm.f32 $1.000000000e+00  }
0xb6: {  	(v2sf) =	vpush v6, $0x7;
	v60 =	vsel vm0, s7, v7;
	s7 =	simm.f32 $1.000000000e+00;
	s9 =	simm.s32 @!p0 $0x0;
	s28 =	spop (v2sf)  }
0xb7: {  	p0 =	sgt.s32 s26, $0x0;
	(v2sf) =	vpush v6, $0x1;
	s8 =	simm.s32 @!p1 $0x0;
	p5 =	sgt.s32 s28, $0x0  }
0xb8: {  	v7 =	vmul.f32 $5.000000000e-01, v11;
	s4 =	simm.s32 @!p0 $0x0;
	(v2sf) =	vpush v6, $0x9;
	v13 =	vsel vm0, s9, v13;
	p0 =	sgt.s32 s22, $0x0;
	s29 =	spop (v2sf)  }
0xb9: {  	s9 =	simm.f32 $1.000000000e+00;
	(v2sf) =	vpush v6, $0x4;
	v13 =	vnsel vm1, s6, v13;
	s6 =	simm.f32 $1.000000000e+00;
	v61 =	vmov s4;
	s30 =	spop (v2sf)  }
0xba: {  	v7 =	vmul.f32 v7, v11;
	s9 =	simm.s32 @!p2 $0x0;
	s6 =	simm.s32 @!p0 $0x0;
	p0 =	sgt.s32 s29, $0x0;
	(v2sf) =	vpush v6, $0x3;
	v13 =	vnsel vm2, s8, v13  }
0xbb: {  	s8 =	simm.f32 $1.000000000e+00;
	s7 =	simm.s32 @!p0 $0x0;
	(v2sf) =	vpush v6, $0x8;
	v12 =	vmul.f32 v13, v12;
	p0 =	sgt.s32 s30, $0x0;
	v9 =	vnsel vm2, s6, v9  }
0xbc: {  	s8 =	simm.s32 @!p4 $0x0;
	v13 =	vnsel vm1, s9, v60;
	(v2sf) =	vpush v6, $0x2;
	s1 =	simm.s32 @!p0 $0x0;
	v9 =	vmul.f32 v9, v10;
	p0 =	seq.s32 s31, $0x1  }
.Ltmp3:
0xbd: {  	s3 =	simm.s32 @!p5 $0x0;
	v16 =	vnsel vm2, s8, v13;
	v8 =	vadd.f32 v12, v8;
	v12 =	vsel vm0, s1, v61;
	(pc) =	sbr.rel @p0 .LBB2_4-.Ltmp3, $4  }
0xbe: {  	v13 =	vand.u32 $0x7FFFFFFF, v11;
	(v2sf) =	vpush v6, $0xF;
	v10 =	vnsel vm1, s3, v12  }
0xbf: {  	(v2sf) =	vpush v6, $0xD;
	v12 =	vnsel vm2, s7, v10;
	v10 =	vsub.f32 v63, v62;
	s1 =	spop (v2sf)  }
0xc0: {  	v11 =	vadd.f32 v8, v9;
	v9 =	vmul.f32 v14, v16;
	(v2sf) =	vpush v6, $0xC;
	s5 =	spop (v2sf)  }
0xc1: {  	s0 =	sadd.s32 $0x10, s0;
	s6 =	smov.u32 s2;
	v8 =	vmul.f32 v15, v12;
	v12 =	vadd.f32 $-5.000000000e-01, v13;
	s4 =	spop (v2sf);
	(v2sf) =	vpush v6, $0xE  }
0xc2: {  	(v2sf) =	vpush v4, $0x0  }
0xc3: {  	(v2sf) =	vpush v4, $0x1  }
0xc4: {  	s2 =	spop (v2sf);
	(v2sf) =	vpush v4, $0x2  }
0xc5: {  	s3 =	spop (v2sf);
	(v2sf) =	vpush v4, $0x3  }
0xc6: {  	s6 =	spop (v2sf);
	(v2sf) =	vpush v4, $0x4  }
0xc7: {  	s7 =	spop (v2sf);
	(v2sf) =	vpush v4, $0x5  }
0xc8: {  	s9 =	spop (v2sf);
	(v2sf) =	vpush v4, $0x6  }
0xc9: {  	s21 =	spop (v2sf);
	(v2sf) =	vpush v4, $0x7  }
0xca: {  	s13 =	spop (v2sf);
	(v2sf) =	vpush v4, $0x8  }
0xcb: {  	s23 =	spop (v2sf);
	(v2sf) =	vpush v4, $0x9  }
0xcc: {  	s16 =	spop (v2sf);
	(v2sf) =	vpush v4, $0xA  }
0xcd: {  	s14 =	spop (v2sf);
	(v2sf) =	vpush v4, $0xB  }
0xce: {  	s20 =	spop (v2sf);
	(v2sf) =	vpush v4, $0xC  }
0xcf: {  	s18 =	spop (v2sf);
	(v2sf) =	vpush v4, $0xD  }
0xd0: {  	p0 =	sgt.s32 s4, $0x0;
	s19 =	spop (v2sf);
	(v2sf) =	vpush v4, $0xE  }
0xd1: {  	s24 =	simm.f32 $1.000000000e+00;
	s25 =	simm.f32 $1.000000000e+00;
	s0 =	spop (v2sf);
	(v2sf) =	vpush v4, $0xF  }
0xd2: {  	s22 =	simm.f32 $1.000000000e+00;
	s26 =	simm.f32 $1.000000000e+00;
	s12 =	spop (v2sf);
	(v2sf) =	vpush v2, $0x0  }
0xd3: {  	s28 =	simm.f32 $1.000000000e+00;
	s29 =	simm.f32 $1.000000000e+00;
	s10 =	spop (v2sf);
	(v2sf) =	vpush v2, $0x1  }
0xd4: {  	s30 =	simm.f32 $1.000000000e+00;
	p3 =	sgt.s32 s2, $0x0;
	s8 =	spop (v2sf);
	(v2sf) =	vpush v2, $0x2  }
0xd5: {  	p2 =	sgt.s32 s3, $0x0;
	p1 =	sgt.s32 s6, $0x0;
	s6 =	spop (v2sf);
	(v2sf) =	vpush v2, $0x3  }
0xd6: {  	s22 =	simm.s32 @!p3 $0x0;
	p3 =	sgt.s32 s5, $0x0;
	s4 =	spop (v2sf);
	(v2sf) =	vpush v2, $0x4  }
0xd7: {  	s28 =	simm.s32 @!p3 $0x0;
	p3 =	sgt.s32 s1, $0x0;
	s2 =	spop (v2sf);
	(v2sf) =	vpush v2, $0x5  }
0xd8: {  	vm6 =	vlt.f32 v13, $1.000000000e+00;
	s1 =	simm.f32 $1.000000000e+00;
	p4 =	sgt.s32 s7, $0x0;
	s3 =	spop (v2sf);
	(v2sf) =	vpush v2, $0x6  }
0xd9: {  	v48 =	vand.u32 $0x7FFFFFFF, v10;
	v6 =	vmul.f32 $5.000000000e-01, v10;
	s24 =	simm.s32 @!p1 $0x0;
	s1 =	simm.s32 @!p3 $0x0;
	s5 =	spop (v2sf);
	(v2sf) =	vpush v2, $0x7  }
0xda: {  	v9 =	vadd.f32 v9, v11;
	v50 =	vmul.f32 $5.000000000e-01, v5;
	s25 =	simm.s32 @!p4 $0x0;
	p4 =	sgt.s32 s13, $0x0;
	s7 =	spop (v2sf);
	(v2sf) =	vpush v2, $0x8  }
0xdb: {  	v51 =	vand.u32 $0x7FFFFFFF, v3;
	v52 =	vmul.f32 $5.000000000e-01, v3;
	p1 =	sgt.s32 s9, $0x0;
	s26 =	simm.s32 @!p4 $0x0;
	s9 =	spop (v2sf);
	(v2sf) =	vpush v2, $0x9  }
0xdc: {  	v53 =	vand.u32 $0x7FFFFFFF, v5;
	p4 =	sgt.s32 s16, $0x0;
	v56 =	vmov s26;
	s26 =	simm.f32 $1.000000000e+00;
	s13 =	spop (v2sf);
	(v2sf) =	vpush v2, $0xA  }
0xdd: {  	v7 =	vsel vm6, v7, v12;
	v49 =	vadd.f32 $-5.000000000e-01, v48;
	s29 =	simm.s32 @!p4 $0x0;
	p4 =	sgt.s32 s14, $0x0;
	s14 =	spop (v2sf);
	(v2sf) =	vpush v2, $0xB  }
0xde: {  	vm6 =	vlt.f32 v48, $1.000000000e+00;
	v60 =	vadd.f32 $-5.000000000e-01, v51;
	p3 =	sgt.s32 s23, $0x0;
	s26 =	simm.s32 @!p0 $0x0;
	(v2sf) =	vpush v2, $0xC;
	s16 =	spop (v2sf)  }
0xdf: {  	v61 =	vadd.f32 $-5.000000000e-01, v53;
	vm7 =	vlt.f32 v51, $1.000000000e+00;
	s30 =	simm.s32 @!p4 $0x0;
	s0 =	sadd.f32 s12, s0;
	s23 =	spop (v2sf);
	(v2sf) =	vpush v2, $0xD  }
0xe0: {  	v6 =	vmul.f32 v6, v10;
	v54 =	vmov s24;
	p4 =	sgt.s32 s21, $0x0;
	s21 =	simm.f32 $1.000000000e+00;
	s24 =	spop (v2sf);
	(v2sf) =	vpush v2, $0xE  }
0xe1: {  	v57 =	vmov s28;
	v10 =	vsel vm0, s29, v56;
	p0 =	sgt.s32 s20, $0x0;
	s0 =	sadd.f32 s0, s10;
	s28 =	spop (v2sf);
	(v2sf) =	vpush v2, $0xF  }
0xe2: {  	v8 =	vadd.f32 v8, v9;
	v10 =	vnsel vm1, s25, v10;
	s20 =	simm.f32 $1.000000000e+00;
	s21 =	simm.s32 @!p2 $0x0;
	s25 =	spop (v2sf);
	(v2sf) =	vpush v1, $0x0  }
0xe3: {  	v55 =	vmul.f32 v50, v5;
	v58 =	vnsel vm2, s26, v10;
	s20 =	simm.s32 @!p3 $0x0;
	s0 =	sadd.f32 s0, s8;
	(v2sf) =	vpush v1, $0x1;
	s26 =	spop (v2sf)  }
0xe4: {  	v3 =	vmul.f32 v52, v3;
	v2 =	vsel vm0, s1, v57;
	s1 =	simm.f32 $1.000000000e+00;
	[dreg:$0xa] =	wrdreg s26;
	s26 =	spop (v2sf);
	(v2sf) =	vpush v1, $0x2  }
0xe5: {  	v6 =	vsel vm6, v6, v49;
	v12 =	vsel vm0, s21, v54;
	[dreg:$0x9] =	wrdreg s25;
	s25 =	simm.f32 $1.000000000e+00;
	s21 =	spop (v2sf);
	(v2sf) =	vpush v1, $0x3  }
0xe6: {  	v4 =	vmul.f32 v58, v7;
	v12 =	vnsel vm1, s22, v12;
	s1 =	simm.s32 @!p4 $0x0;
	s25 =	simm.s32 @!p1 $0x0;
	s22 =	spop (v2sf);
	(v2sf) =	vpush v1, $0x4  }
0xe7: {  	vm6 =	vlt.f32 v53, $1.000000000e+00;
	p1 =	sgt.s32 s19, $0x0;
	s19 =	simm.f32 $1.000000000e+00;
	v2 =	vnsel vm1, s25, v2;
	s25 =	spop (v2sf);
	(v2sf) =	vpush v1, $0x5  }
0xe8: {  	v59 =	vmov s30;
	v4 =	vadd.f32 v4, v8;
	[dreg:$0xb] =	wrdreg s26;
	s19 =	simm.s32 @!p1 $0x0;
	s26 =	spop (v2sf);
	(v2sf) =	vpush v1, $0x6  }
0xe9: {  	s0 =	sadd.f32 s0, s6;
	v12 =	vnsel vm2, s1, v12;
	s1 =	simm.f32 $1.000000000e+00;
	v10 =	vsel vm0, s19, v59;
	s19 =	spop (v2sf);
	(v2sf) =	vpush v1, $0x7  }
0xea: {  	s1 =	simm.s32 @!p0 $0x0;
	v6 =	vmul.f32 v12, v6;
	p0 =	sgt.s32 s18, $0x0;
	v2 =	vnsel vm2, s20, v2;
	(v2sf) =	vpush v1, $0x8;
	s20 =	spop (v2sf)  }
0xeb: {  	v5 =	vsel vm6, v55, v61;
	[dreg:$0xc] =	wrdreg s21;
	v62 =	vnsel vm1, s1, v10;
	s1 =	simm.f32 $1.000000000e+00;
	(v2sf) =	vpush v1, $0x9;
	s21 =	spop (v2sf)  }
0xec: {  	v4 =	vadd.f32 v4, v6;
	[dreg:$0xd] =	wrdreg s22;
	v2 =	vmul.f32 v5, v2;
	s1 =	simm.s32 @!p0 $0x0;
	(v2sf) =	vpush v1, $0xA;
	s22 =	spop (v2sf)  }
0xed: {  	v3 =	vsel vm7, v3, v60;
	[dreg:$0xe] =	wrdreg s25;
	v63 =	vnsel vm2, s1, v62;
	(v2sf) =	vpush v1, $0xB;
	s25 =	spop (v2sf)  }
0xee: {  	[dreg:$0xf] =	wrdreg s26;
	v2 =	vadd.f32 v2, v4;
	v3 =	vmul.f32 v3, v63;
	(v2sf) =	vpush v1, $0xC;
	s26 =	spop (v2sf)  }
0xef: {  	(v2sf) =	vpush v1, $0xD;
	s12 =	spop (v2sf)  }
0xf0: {  	s4 =	sadd.f32 s0, s4;
	v2 =	vadd.f32 v3, v2;
	(v2sf) =	vpush v1, $0xE;
	s18 =	spop (v2sf)  }
0xf1: {  	[dreg:$0x15] =	wrdreg s26;
	(v2sf) =	vpush v1, $0xF;
	s26 =	spop (v2sf)  }
0xf2: {  	[dreg:$0x8] =	wrdreg s28;
	(v2sf) =	vpush v2, $0x0;
	s28 =	spop (v2sf)  }
0xf3: {  	(v2sf) =	vpush v2, $0x1;
	s29 =	spop (v2sf)  }
0xf4: {  	s4 =	sadd.f32 s4, s2;
	(v2sf) =	vpush v2, $0x2;
	s30 =	spop (v2sf)  }
0xf5: {  	[dreg:$0x10] =	wrdreg s19;
	(v2sf) =	vpush v2, $0x3;
	s31 =	spop (v2sf)  }
0xf6: {  	s19 =	sadd.f32 s4, s3;
	(v2sf) =	vpush v2, $0x4;
	s0 =	spop (v2sf)  }
0xf7: {  	[dreg:$0x11] =	wrdreg s20;
	(v2sf) =	vpush v2, $0x5;
	s1 =	spop (v2sf)  }
0xf8: {  	[dreg:$0x16] =	wrdreg s12;
	(v2sf) =	vpush v2, $0x6;
	s12 =	spop (v2sf)  }
0xf9: {  	s20 =	sadd.f32 s19, s5;
	(v2sf) =	vpush v2, $0x7;
	s2 =	spop (v2sf)  }
0xfa: {  	[dreg:$0x12] =	wrdreg s21;
	(v2sf) =	vpush v2, $0x8;
	s3 =	spop (v2sf)  }
0xfb: {  	s21 =	sadd.f32 s20, s7;
	(v2sf) =	vpush v2, $0x9;
	s4 =	spop (v2sf)  }
0xfc: {  	[dreg:$0x13] =	wrdreg s22;
	(v2sf) =	vpush v2, $0xA;
	s5 =	spop (v2sf)  }
0xfd: {  	s22 =	sadd.f32 s21, s9;
	(v2sf) =	vpush v2, $0xB;
	s6 =	spop (v2sf)  }
0xfe: {  	s7 =	spop (v2sf)  }
0xff: {  	s13 =	sadd.f32 s22, s13;
	(v2sf) =	vpush v2, $0xC;
	s8 =	spop (v2sf)  }
0x100: {  	(v2sf) =	vpush v2, $0xD;
	s9 =	spop (v2sf)  }
0x101: {  	s13 =	sadd.f32 s13, s14;
	(v2sf) =	vpush v2, $0xE;
	s10 =	spop (v2sf)  }
0x102: {  	(v2sf) =	vpush v2, $0xF;
	s22 =	spop (v2sf)  }
0x103: {  	s13 =	sadd.f32 s13, s16;
	s20 =	spop (v2sf)  }
0x104: {  	[dreg:$0x17] =	wrdreg s18;
	s21 =	spop (v2sf)  }
0x105: {  	s13 =	sadd.f32 s13, s23;
	s18 =	spop (v2sf)  }
0x106: {  	s19 =	spop (v2sf)  }
0x107: {  	s13 =	sadd.f32 s13, s24;
	s14 =	spop (v2sf)  }
0x108: {  	[dreg:$0x14] =	wrdreg s25;
	s16 =	spop (v2sf)  }
0x109: {  	s23 =	smul.f32 $3.000000000e+00, s13;
	s25 =	spop (v2sf)  }
0x10a: {  	[dreg:$0x1e] =	wrdreg s25;
	s25 =	spop (v2sf)  }
0x10b: {  	[dreg:$0x1f] =	wrdreg s25;
	s24 =	spop (v2sf)  }
0x10c: {  	[dreg:$0x1c] =	wrdreg s24;
	s25 =	spop (v2sf)  }
0x10d: {  	p0 =	sge.f32 s23, $8.732000000e+03;
	[dreg:$0x1d] =	wrdreg s25  }
.Ltmp4:
0x10e: {  	s25 =	spop (v2sf);
	(pc) =	sbr.rel @p0 .LBB2_6-.Ltmp4, $4  }
0x10f: {  	[dreg:$0x1a] =	wrdreg s25;
	s25 =	spop (v2sf)  }
0x110: {  	[dreg:$0x1b] =	wrdreg s25;
	s25 =	spop (v2sf)  }
0x111: {  	[dreg:$0x19] =	wrdreg s25;
	s25 =	spop (v2sf)  }
0x112: {  	s24 =	simm.s32 $0x0;
	[dreg:$0x18] =	wrdreg s25;
	s25 =	simm.s32 $0x0  }
.LBB2_7:
0x113: {  	s0 =	sshrl.u32 s15, s25  }
0x114: {  	s1 =	simm.s32 $0x0;
	s26 =	sor.u32 s0, s24  }
0x115: {  	v3 =	vld [tilespmem:s1+$0x0];
	v1 =	vmov s26  }
0x116: {  	s0 =	simm.s32 $0x40;
	v2 =	vbroadcast v1, $0x0;
	v1 =	vimm.f32 $0.0e+00  }
.LBB2_8:
0x117: {  	p0 =	sne.s32 s0, $0x8BC0  }
.Ltmp5:
0x118: {  	_ = 	snop;
	(pc) =	sbr.rel @p0 .LBB2_8-.Ltmp5, $4  }
0x119: {  	_ = 	snop  }
0x11a: {  	s1 =	sshra.s32 s0, $0x2;
	s0 =	sadd.s32 $0x40, s0;
	vm6 =	vge.f32 v3, v2  }
0x11b: {  	v3 =	vld [tilespmem:s1+$0x0];
	v4 =	vsel vm6, $0x3F800000, v0  }
0x11c: {  	v1 =	vadd.f32 v4, v1  }
0x11d: {  	_ =	sdelay $0x2  }
0x11e: {  	vm6 =	vge.f32 v3, v2  }
0x11f: {  	v2 =	vsel vm6, $0x3F800000, v0  }
0x120: {  	v1 =	vadd.f32 v2, v1;
	_ =	sdelay $0x1  }
0x121: {  	(v2sf) =	vpush v1, $0x0  }
0x122: {  	(v2sf) =	vpush v1, $0x1;
	_ =	sdelay $0x1  }
0x123: {  	(v2sf) =	vpush v1, $0x2;
	_ =	sdelay $0x1  }
0x124: {  	(v2sf) =	vpush v1, $0x3;
	_ =	sdelay $0x1  }
0x125: {  	(v2sf) =	vpush v1, $0x4;
	_ =	sdelay $0x1  }
0x126: {  	(v2sf) =	vpush v1, $0x5;
	_ =	sdelay $0x1  }
0x127: {  	(v2sf) =	vpush v1, $0x6;
	_ =	sdelay $0x1  }
0x128: {  	(v2sf) =	vpush v1, $0x7;
	_ =	sdelay $0x1  }
0x129: {  	s0 =	spop (v2sf);
	(v2sf) =	vpush v1, $0x8  }
0x12a: {  	s1 =	spop (v2sf)  }
0x12b: {  	(v2sf) =	vpush v1, $0x9;
	s0 =	sadd.f32 s1, s0  }
0x12c: {  	s31 =	spop (v2sf)  }
0x12d: {  	(v2sf) =	vpush v1, $0xA;
	s0 =	sadd.f32 s0, s31  }
0x12e: {  	s2 =	spop (v2sf)  }
0x12f: {  	(v2sf) =	vpush v1, $0xB;
	s0 =	sadd.f32 s0, s2  }
0x130: {  	s3 =	spop (v2sf)  }
0x131: {  	(v2sf) =	vpush v1, $0xC;
	s0 =	sadd.f32 s0, s3  }
0x132: {  	s4 =	spop (v2sf)  }
0x133: {  	(v2sf) =	vpush v1, $0xD;
	s0 =	sadd.f32 s0, s4  }
0x134: {  	s5 =	spop (v2sf)  }
0x135: {  	(v2sf) =	vpush v1, $0xE;
	s0 =	sadd.f32 s0, s5  }
0x136: {  	s6 =	spop (v2sf)  }
0x137: {  	(v2sf) =	vpush v1, $0xF;
	s0 =	sadd.f32 s0, s6  }
0x138: {  	s7 =	spop (v2sf)  }
0x139: {  	s0 =	sadd.f32 s0, s7  }
0x13a: {  	s8 =	spop (v2sf)  }
0x13b: {  	s0 =	sadd.f32 s0, s8  }
0x13c: {  	s9 =	spop (v2sf)  }
0x13d: {  	s0 =	sadd.f32 s0, s9  }
0x13e: {  	s12 =	spop (v2sf)  }
0x13f: {  	s0 =	sadd.f32 s0, s12  }
0x140: {  	s28 =	spop (v2sf)  }
0x141: {  	s0 =	sadd.f32 s0, s28  }
0x142: {  	s29 =	spop (v2sf)  }
0x143: {  	s0 =	sadd.f32 s0, s29  }
0x144: {  	s30 =	spop (v2sf)  }
0x145: {  	s25 =	sadd.s32 $0x1, s25;
	s0 =	sadd.f32 s0, s30  }
0x146: {  	p1 =	sne.s32 s25, $0x1F;
	s31 =	spop (v2sf)  }
.Ltmp6:
0x147: {  	s0 =	sadd.f32 s0, s31;
	(pc) =	sbr.rel @p1 .LBB2_7-.Ltmp6, $3  }
0x148: {  	_ = 	snop  }
0x149: {  	p0 =	sge.f32 s0, s23;
	_ =	sdelay $0x1  }
0x14a: {  	s24 =	smov.u32 @p0 s26  }
0x14b: {  	s1 =	simm.s32 $0x0  }
0x14c: {  	v2 =	vld [tilespmem:s1+$0x0]  }
0x14d: {  	v4 =	vmov s24;
	v3 =	vimm.f32 $0.0e+00;
	s0 =	simm.s32 $0x40;
	v1 =	vimm.f32 $0.0e+00  }
.LBB2_11:
0x14e: {  	p0 =	sne.s32 s0, $0x8BC0  }
.Ltmp7:
0x14f: {  	_ = 	snop;
	(pc) =	sbr.rel @p0 .LBB2_11-.Ltmp7, $4  }
0x150: {  	_ = 	snop  }
0x151: {  	s1 =	sshra.s32 s0, $0x2;
	s0 =	sadd.s32 $0x40, s0;
	vm6 =	vgt.f32 v2, v4  }
0x152: {  	v5 =	vsel vm6, $0x3F800000, v0;
	v6 =	vnsel vm6, $0x0, v2;
	v2 =	vld [tilespmem:s1+$0x0]  }
0x153: {  	v3 =	vadd.f32 v5, v3;
	v1 =	vadd.f32 v6, v1  }
0x154: {  	_ =	sdelay $0x2  }
0x155: {  	vm6 =	vgt.f32 v2, v4  }
0x156: {  	v4 =	vsel vm6, $0x3F800000, v0  }
0x157: {  	v3 =	vadd.f32 v4, v3;
	_ =	sdelay $0x1  }
0x158: {  	(v2sf) =	vpush v3, $0x0  }
0x159: {  	(v2sf) =	vpush v3, $0x1  }
0x15a: {  	(v2sf) =	vpush v3, $0x2  }
0x15b: {  	(v2sf) =	vpush v3, $0x3  }
0x15c: {  	(v2sf) =	vpush v3, $0x4  }
0x15d: {  	(v2sf) =	vpush v3, $0x5  }
0x15e: {  	(v2sf) =	vpush v3, $0x6  }
0x15f: {  	(v2sf) =	vpush v3, $0x7  }
0x160: {  	(v2sf) =	vpush v3, $0x8  }
0x161: {  	(v2sf) =	vpush v3, $0x9  }
0x162: {  	(v2sf) =	vpush v3, $0xA  }
0x163: {  	(v2sf) =	vpush v3, $0xB  }
0x164: {  	(v2sf) =	vpush v3, $0xC  }
0x165: {  	v2 =	vnsel vm6, $0x0, v2;
	(v2sf) =	vpush v3, $0xD  }
0x166: {  	v1 =	vadd.f32 v2, v1;
	(v2sf) =	vpush v3, $0xE  }
0x167: {  	s0 =	spop (v2sf);
	(v2sf) =	vpush v3, $0xF  }
0x168: {  	s1 =	spop (v2sf);
	(v2sf) =	vpush v1, $0x0  }
0x169: {  	s2 =	spop (v2sf);
	(v2sf) =	vpush v1, $0x1  }
0x16a: {  	s3 =	spop (v2sf)  }
0x16b: {  	(v2sf) =	vpush v1, $0x2;
	s4 =	spop (v2sf)  }
0x16c: {  	s5 =	spop (v2sf)  }
0x16d: {  	(v2sf) =	vpush v1, $0x3;
	s6 =	spop (v2sf)  }
0x16e: {  	s7 =	spop (v2sf)  }
0x16f: {  	(v2sf) =	vpush v1, $0x4;
	s8 =	spop (v2sf)  }
0x170: {  	s9 =	spop (v2sf)  }
0x171: {  	(v2sf) =	vpush v1, $0x5;
	s12 =	spop (v2sf)  }
0x172: {  	s25 =	spop (v2sf)  }
0x173: {  	(v2sf) =	vpush v1, $0x6;
	s26 =	spop (v2sf)  }
0x174: {  	s0 =	sadd.f32 s1, s0;
	s28 =	spop (v2sf)  }
0x175: {  	(v2sf) =	vpush v1, $0x7;
	s29 =	spop (v2sf)  }
0x176: {  	s0 =	sadd.f32 s0, s2;
	s30 =	spop (v2sf);
	(v2sf) =	vpush v1, $0x8  }
0x177: {  	s1 =	spop (v2sf)  }
0x178: {  	s0 =	sadd.f32 s0, s3;
	s31 =	spop (v2sf)  }
0x179: {  	(v2sf) =	vpush v1, $0x9;
	s1 =	sadd.f32 s31, s1  }
0x17a: {  	s0 =	sadd.f32 s0, s4;
	s3 =	spop (v2sf)  }
0x17b: {  	(v2sf) =	vpush v1, $0xA;
	s1 =	sadd.f32 s1, s3  }
0x17c: {  	s0 =	sadd.f32 s0, s5;
	s4 =	spop (v2sf)  }
0x17d: {  	(v2sf) =	vpush v1, $0xB;
	s1 =	sadd.f32 s1, s4  }
0x17e: {  	s0 =	sadd.f32 s0, s6;
	s5 =	spop (v2sf)  }
0x17f: {  	(v2sf) =	vpush v1, $0xC;
	s1 =	sadd.f32 s1, s5  }
0x180: {  	s0 =	sadd.f32 s0, s7;
	s6 =	spop (v2sf)  }
0x181: {  	(v2sf) =	vpush v1, $0xD;
	s1 =	sadd.f32 s1, s6  }
0x182: {  	s0 =	sadd.f32 s0, s8;
	s7 =	spop (v2sf)  }
0x183: {  	(v2sf) =	vpush v1, $0xE;
	s1 =	sadd.f32 s1, s7  }
0x184: {  	s0 =	sadd.f32 s0, s9;
	s8 =	spop (v2sf)  }
0x185: {  	s1 =	sadd.f32 s1, s8;
	s9 =	spop (v2sf);
	(v2sf) =	vpush v1, $0xF  }
0x186: {  	s0 =	sadd.f32 s0, s12  }
0x187: {  	s1 =	sadd.f32 s1, s9  }
0x188: {  	s0 =	sadd.f32 s0, s25;
	s12 =	spop (v2sf)  }
0x189: {  	s1 =	sadd.f32 s1, s12  }
0x18a: {  	s0 =	sadd.f32 s0, s26;
	s25 =	spop (v2sf)  }
0x18b: {  	s1 =	sadd.f32 s1, s25  }
0x18c: {  	s0 =	sadd.f32 s0, s28;
	s26 =	spop (v2sf)  }
0x18d: {  	s1 =	sadd.f32 s1, s26  }
0x18e: {  	s0 =	sadd.f32 s0, s29;
	s28 =	spop (v2sf)  }
0x18f: {  	s1 =	sadd.f32 s1, s28  }
0x190: {  	s0 =	sadd.f32 s0, s30;
	s29 =	spop (v2sf)  }
0x191: {  	s1 =	sadd.f32 s1, s29  }
0x192: {  	s0 =	ssub.f32 s23, s0;
	s30 =	spop (v2sf)  }
.Ltmp8:
0x193: {  	s1 =	sadd.f32 s1, s30;
	(pc) =	sbr.rel .LBB2_13-.Ltmp8, $4  }
0x194: {  	s31 =	spop (v2sf)  }
0x195: {  	s0 =	smul.f32 s24, s0;
	s1 =	sadd.f32 s1, s31  }
0x196: {  	_ = 	snop  }
0x197: {  	s0 =	sadd.f32 s0, s1  }
.LBB2_14:
0x198: {  	_ =	sfence.sel $0x180000  }
0x199: {  	[bflag:$0x0] =	sbarrier.arrive $0xFFFF  }
0x19a: {  	_ =	strace $0x90000047  }
0x19b: {  	s0 =	stileid.u32;
	[bflag:$0x2] =	sbarrier.arrive $0xFFFF  }
0x19c: {  	p0 =	sne.s32 s0, $0x0;
	s0 =	rddreg [dreg:$0x1]  }
0x19d: {  	s0 =	sadd.s32 @!p0 $0x100000, s0  }
0x19e: {  	[sflag:s0] =	ssyncadd.tile.s32 @!p0 $0x1;
	_ =	shalt  }
.Lfunc_end2:
_tile_overlayer_lowered:
.L_overlay_start_2:
0x19f: {  	(tag) =	ssettag $0x2  }
0x1a0: {  	s0 =	rddreg [dreg:$0x0];
	s2 =	stileid.u32  }
0x1a1: {  	s1 =	rddreg [dreg:$0x1];
	p0 =	sne.s32 s2, $0x0  }
0x1a2: {  	s3 =	rddreg [dreg:$0x2];
	[bflag:$0x3] =	sbarrier.arrive $0xFFFF;
	s2 =	simm.s32 @!p0 $0x1C01  }
0x1a3: {  	[timem:s3], [sflag:s2] =	dma.local @!p0 [hbm:s0], s1  }
0x1a4: {  	s0 =	simm.s32 @!p0 $0x1  }
0x1a5: {  	_ =	swait.ge @!p0 [sflag:s0], s1  }
0x1a6: {  	s1 =	ssub.s32 @!p0 $0x0, s1;
	[sflag:s0] =	ssyncset.done @!p0 $0x0  }
0x1a7: {  	[sflag:s0] =	ssyncadd.s32 @!p0 s1  }
0x1a8: {  	[bflag:$0x3] =	sbarrier.arrive $0xFFFF  }
0x1a9: {  	_ =	shalt  }

</sc_bundles>
